<compile_context>
chip_gen: v7x
topology: tpu7x:2x2x1
jax: 0.10.2.dev20260603
libtpu: 0.0.44.dev20260713+nightly
codegen_flags: <defaults>
</compile_context>

<pallas_src>
import functools

import jax
import jax.numpy as jnp
from jax import lax
from jax.experimental import pallas as pl
from jax.experimental.pallas import tpu as pltpu
from jax.experimental.pallas import tpu_sc as plsc

_N_ROWS, _N_COLS = 8192, 4096
_LANES = 16
_NUM_WORKERS = 32
_GROUPS = _N_ROWS // _NUM_WORKERS // _LANES
_CC = 1024
_CHUNKS = _N_COLS // _CC
_TILES = _GROUPS * _CHUNKS


@functools.cache
def _sc_cumsum_call():
    mesh = plsc.VectorSubcoreMesh(core_axis_name="c", subcore_axis_name="s")

    @functools.partial(
        pl.kernel,
        mesh=mesh,
        compiler_params=pltpu.CompilerParams(needs_layout_passes=False),
        out_type=jax.ShapeDtypeStruct((_N_ROWS, _N_COLS), jnp.float32),
        scratch_types=[pltpu.VMEM((_LANES, _CC), jnp.float32),
                       pltpu.VMEM((_LANES, _CC), jnp.float32),
                       pltpu.VMEM((_LANES, _CC), jnp.float32),
                       pltpu.VMEM((_LANES, _CC), jnp.float32),
                       pltpu.SemaphoreType.DMA,
                       pltpu.SemaphoreType.DMA,
                       pltpu.SemaphoreType.DMA,
                       pltpu.SemaphoreType.DMA],
    )
    def sc_cumsum(x_hbm, o_hbm, ibuf0, ibuf1, obuf0, obuf1,
                  sem_i0, sem_i1, sem_o0, sem_o1):
        wid = lax.axis_index("s") * 2 + lax.axis_index("c")
        ibufs, obufs = (ibuf0, ibuf1), (obuf0, obuf1)
        sems_i, sems_o = (sem_i0, sem_i1), (sem_o0, sem_o1)

        def tile_src(t):
            g = t // _CHUNKS
            c = lax.rem(t, _CHUNKS)
            row0 = (wid * _GROUPS + g) * _LANES
            return x_hbm.at[pl.ds(row0, _LANES), pl.ds(c * _CC, _CC)]

        def tile_dst(t):
            g = t // _CHUNKS
            c = lax.rem(t, _CHUNKS)
            row0 = (wid * _GROUPS + g) * _LANES
            return o_hbm.at[pl.ds(row0, _LANES), pl.ds(c * _CC, _CC)]

        pltpu.async_copy(tile_src(0), ibuf0, sem_i0)

        last = lax.iota(jnp.int32, _LANES) * 0 + (_LANES - 1)

        def step(i, carries):
            for b in range(2):
                t = 2 * i + b
                ib, ob = ibufs[b], obufs[b]

                @pl.when((t + 1 < _TILES) if b == 0 else (i < _TILES // 2 - 1))
                def _():
                    pltpu.async_copy(tile_src(t + 1), ibufs[1 - b],
                                     sems_i[1 - b])

                pltpu.make_async_copy(tile_src(t), ib, sems_i[b]).wait()

                @pl.when(i >= 1)
                def _():
                    pltpu.make_async_copy(ob, tile_dst(t), sems_o[b]).wait()

                maskf = (lax.rem(t, _CHUNKS) != 0).astype(jnp.float32)
                carries = tuple(cr * maskf for cr in carries)

                def col_body(j, carries):
                    new = []
                    for r in range(_LANES):
                        v = ib[r, pl.ds(j * _LANES, _LANES)]
                        s = plsc.cumsum(v) + carries[r]
                        ob[r, pl.ds(j * _LANES, _LANES)] = s
                        new.append(s.at[last].get(mode="promise_in_bounds"))
                    return tuple(new)

                carries = plsc.parallel_loop(
                    0, _CC // _LANES, unroll=4, carry=carries)(col_body)

                pltpu.async_copy(ob, tile_dst(t), sems_o[b])
            return carries

        lax.fori_loop(0, _TILES // 2, step,
                      (jnp.zeros((_LANES,), jnp.float32),) * _LANES)

        pltpu.make_async_copy(obuf0, tile_dst(_TILES - 2), sem_o0).wait()
        pltpu.make_async_copy(obuf1, tile_dst(_TILES - 1), sem_o1).wait()

    return sc_cumsum


def kernel(x):
    return _sc_cumsum_call()(x)

# --- scband reference (transcript-rebuilt; emitter-appended) ---
"""Pipeline reference for scband-model-new-23656679867034 (READ-ONLY COPY).

The authoritative reference and input builder live on the scoring server;
editing this copy changes nothing except your own understanding.
"""

import jax, jax.numpy as jnp
import numpy as np

def setup_inputs(seed: int = 0) -> dict:
    key = jax.random.key(seed)
    x = jax.random.normal(key, (8192, 4096), dtype=jnp.float32)
    return {"x": x}

def reference(x):
    # Custom CUDA kernel computes inclusive prefix sum along dim=1 (rows x cols)
    return jnp.cumsum(x, axis=1)

if __name__ == "__main__":
    import jax
    _d = setup_inputs()
    print(jax.jit(kernel)(*tuple(_d.values())))

</pallas_src>

<mosaic_0001>
#map = affine_map<(d0, d1) -> (0, 0)>
module attributes {stable_mosaic.version = 14 : i64} {
  func.func @sc_cumsum(%arg0: i32, %arg1: i32, %arg2: memref<8192x4096xf32, #tpu.memory_space<hbm>>, %arg3: memref<8192x4096xf32, #tpu.memory_space<hbm>>, %arg4: memref<16x1024xf32, #tpu.memory_space<vmem>>, %arg5: memref<16x1024xf32, #tpu.memory_space<vmem>>, %arg6: memref<16x1024xf32, #tpu.memory_space<vmem>>, %arg7: memref<16x1024xf32, #tpu.memory_space<vmem>>, %arg8: memref<!tpu.dma_semaphore, #tpu.memory_space<semaphore_mem>>, %arg9: memref<!tpu.dma_semaphore, #tpu.memory_space<semaphore_mem>>, %arg10: memref<!tpu.dma_semaphore, #tpu.memory_space<semaphore_mem>>, %arg11: memref<!tpu.dma_semaphore, #tpu.memory_space<semaphore_mem>>) attributes {dimension_semantics = [#tpu.dimension_semantics<core_parallel>, #tpu.dimension_semantics<subcore_parallel>], iteration_bounds = array<i64: 2, 16>, scalar_prefetch = 0 : i64, scratch_operands = 8 : i64, tpu.core_type = #tpu.core_type<sc_vector_subcore>, window_params = [{transform_indices = #map}, {transform_indices = #map}]} {
    %mul3A = arith.constant 2 : i32
    %mul3A_0 = arith.muli %arg1, %mul3A : i32
    %add3A = arith.addi %mul3A_0, %arg0 : i32
    %rem3A = arith.constant 0 : i32
    %rem3A_1 = arith.constant 4 : i32
    %rem3A_2 = arith.remsi %rem3A, %rem3A_1 : i32
    %mul3A_3 = arith.constant 16 : i32
    %mul3A_4 = arith.muli %add3A, %mul3A_3 : i32
    %add3A_5 = arith.constant 0 : i32
    %add3A_6 = arith.addi %mul3A_4, %add3A_5 : i32
    %mul3A_7 = arith.constant 16 : i32
    %mul3A_8 = arith.muli %add3A_6, %mul3A_7 : i32
    %mul3A_9 = arith.constant 1024 : i32
    %mul3A_10 = arith.muli %rem3A_2, %mul3A_9 : i32
    %dma_start3A = tpu.memref_slice %arg2[%mul3A_8, %mul3A_10] : memref<8192x4096xf32, #tpu.memory_space<hbm>> -> memref<16x1024xf32, #tpu.memory_space<hbm>>
    %dma_start3A_11 = tpu.memref_slice %arg2[%mul3A_8, %mul3A_10] : memref<8192x4096xf32, #tpu.memory_space<hbm>> -> memref<16x1024xf32, #tpu.memory_space<hbm>>
    tpu.enqueue_dma source(%dma_start3A_11 : memref<16x1024xf32, #tpu.memory_space<hbm>>) target(%arg4 : memref<16x1024xf32, #tpu.memory_space<vmem>>) target_semaphore(%arg8 : memref<!tpu.dma_semaphore, #tpu.memory_space<semaphore_mem>>)
    %iota3A = tpu.iota {dimensions = array<i32: 0>} : vector<16xi32>
    %mul3A_12 = arith.constant 0 : i32
    %mul3A_13 = vector.broadcast %mul3A_12 : i32 to vector<16xi32>
    %mul3A_14 = arith.muli %iota3A, %mul3A_13 : vector<16xi32>
    %add3A_15 = arith.constant 15 : i32
    %add3A_16 = vector.broadcast %add3A_15 : i32 to vector<16xi32>
    %add3A_17 = arith.addi %mul3A_14, %add3A_16 : vector<16xi32>
    %broadcast_in_dim3A = arith.constant 0.000000e+00 : f32
    %broadcast_in_dim3A_18 = vector.broadcast %broadcast_in_dim3A : f32 to vector<16xf32>
    %scan3A = arith.constant 0 : i32
    %scan3A_19 = arith.constant 32 : i32
    %scan3A_20 = arith.addi %scan3A, %scan3A_19 : i32
    %scan3A_21 = arith.constant 1 : i32
    %scan3A_22:16 = scf.for %scan3A_49 = %scan3A to %scan3A_20 step %scan3A_21 iter_args(%scan3A_50 = %broadcast_in_dim3A_18, %scan3A_51 = %broadcast_in_dim3A_18, %scan3A_52 = %broadcast_in_dim3A_18, %scan3A_53 = %broadcast_in_dim3A_18, %scan3A_54 = %broadcast_in_dim3A_18, %scan3A_55 = %broadcast_in_dim3A_18, %scan3A_56 = %broadcast_in_dim3A_18, %scan3A_57 = %broadcast_in_dim3A_18, %scan3A_58 = %broadcast_in_dim3A_18, %scan3A_59 = %broadcast_in_dim3A_18, %scan3A_60 = %broadcast_in_dim3A_18, %scan3A_61 = %broadcast_in_dim3A_18, %scan3A_62 = %broadcast_in_dim3A_18, %scan3A_63 = %broadcast_in_dim3A_18, %scan3A_64 = %broadcast_in_dim3A_18, %scan3A_65 = %broadcast_in_dim3A_18) -> (vector<16xf32>, vector<16xf32>, vector<16xf32>, vector<16xf32>, vector<16xf32>, vector<16xf32>, vector<16xf32>, vector<16xf32>, vector<16xf32>, vector<16xf32>, vector<16xf32>, vector<16xf32>, vector<16xf32>, vector<16xf32>, vector<16xf32>, vector<16xf32>)  : i32 {
      %mul3A_66 = arith.constant 2 : i32
      %mul3A_67 = arith.muli %mul3A_66, %scan3A_49 : i32
      %add3A_68 = arith.constant 0 : i32
      %add3A_69 = arith.addi %mul3A_67, %add3A_68 : i32
      %add3A_70 = arith.constant 1 : i32
      %add3A_71 = arith.addi %add3A_69, %add3A_70 : i32
      %lt3A = arith.constant 64 : i32
      %lt3A_72 = arith.cmpi slt, %add3A_71, %lt3A : i32
      %convert_element_type3A = arith.extui %lt3A_72 : i1 to i32
      %cond3A = arith.constant 0 : i32
      %cond3A_73 = arith.cmpi ne, %convert_element_type3A, %cond3A : i32
      scf.if %cond3A_73 {
        %add3A_308 = arith.constant 1 : i32
        %add3A_309 = arith.addi %add3A_69, %add3A_308 : i32
        %jit3A_310 = arith.constant 4 : i32
        %div3A_311 = arith.divsi %add3A_309, %jit3A_310 : i32
        %sign3A_312 = arith.constant 0 : i32
        %sign3A_313 = arith.cmpi sgt, %add3A_309, %sign3A_312 : i32
        %sign3A_314 = arith.extui %sign3A_313 : i1 to i32
        %sign3A_315 = arith.constant 0 : i32
        %sign3A_316 = arith.cmpi slt, %add3A_309, %sign3A_315 : i32
        %sign3A_317 = arith.extui %sign3A_316 : i1 to i32
        %sign3A_318 = arith.subi %sign3A_314, %sign3A_317 : i32
        %sign3A_319 = arith.constant 0 : i32
        %sign3A_320 = arith.cmpi sgt, %jit3A_310, %sign3A_319 : i32
        %sign3A_321 = arith.extui %sign3A_320 : i1 to i32
        %sign3A_322 = arith.constant 0 : i32
        %sign3A_323 = arith.cmpi slt, %jit3A_310, %sign3A_322 : i32
        %sign3A_324 = arith.extui %sign3A_323 : i1 to i32
        %sign3A_325 = arith.subi %sign3A_321, %sign3A_324 : i32
        %ne3A_326 = arith.cmpi ne, %sign3A_318, %sign3A_325 : i32
        %rem3A_327 = arith.remsi %add3A_309, %jit3A_310 : i32
        %ne3A_328 = arith.constant 0 : i32
        %ne3A_329 = arith.cmpi ne, %rem3A_327, %ne3A_328 : i32
        %and3A_330 = arith.andi %ne3A_326, %ne3A_329 : i1
        %sub3A_331 = arith.constant 1 : i32
        %sub3A_332 = arith.subi %div3A_311, %sub3A_331 : i32
        %select_n3A_333 = arith.select %and3A_330, %sub3A_332, %div3A_311 : i32
        %rem3A_334 = arith.constant 4 : i32
        %rem3A_335 = arith.remsi %add3A_309, %rem3A_334 : i32
        %mul3A_336 = arith.constant 16 : i32
        %mul3A_337 = arith.muli %add3A, %mul3A_336 : i32
        %add3A_338 = arith.addi %mul3A_337, %select_n3A_333 : i32
        %mul3A_339 = arith.constant 16 : i32
        %mul3A_340 = arith.muli %add3A_338, %mul3A_339 : i32
        %mul3A_341 = arith.constant 1024 : i32
        %mul3A_342 = arith.muli %rem3A_335, %mul3A_341 : i32
        %dma_start3A_343 = tpu.memref_slice %arg2[%mul3A_340, %mul3A_342] : memref<8192x4096xf32, #tpu.memory_space<hbm>> -> memref<16x1024xf32, #tpu.memory_space<hbm>>
        %dma_start3A_344 = tpu.memref_slice %arg2[%mul3A_340, %mul3A_342] : memref<8192x4096xf32, #tpu.memory_space<hbm>> -> memref<16x1024xf32, #tpu.memory_space<hbm>>
        tpu.enqueue_dma source(%dma_start3A_344 : memref<16x1024xf32, #tpu.memory_space<hbm>>) target(%arg5 : memref<16x1024xf32, #tpu.memory_space<vmem>>) target_semaphore(%arg9 : memref<!tpu.dma_semaphore, #tpu.memory_space<semaphore_mem>>)
      } else {
      }
      %jit3A = arith.constant 4 : i32
      %div3A = arith.divsi %add3A_69, %jit3A : i32
      %sign3A = arith.constant 0 : i32
      %sign3A_74 = arith.cmpi sgt, %add3A_69, %sign3A : i32
      %sign3A_75 = arith.extui %sign3A_74 : i1 to i32
      %sign3A_76 = arith.constant 0 : i32
      %sign3A_77 = arith.cmpi slt, %add3A_69, %sign3A_76 : i32
      %sign3A_78 = arith.extui %sign3A_77 : i1 to i32
      %sign3A_79 = arith.subi %sign3A_75, %sign3A_78 : i32
      %sign3A_80 = arith.constant 0 : i32
      %sign3A_81 = arith.cmpi sgt, %jit3A, %sign3A_80 : i32
      %sign3A_82 = arith.extui %sign3A_81 : i1 to i32
      %sign3A_83 = arith.constant 0 : i32
      %sign3A_84 = arith.cmpi slt, %jit3A, %sign3A_83 : i32
      %sign3A_85 = arith.extui %sign3A_84 : i1 to i32
      %sign3A_86 = arith.subi %sign3A_82, %sign3A_85 : i32
      %ne3A = arith.cmpi ne, %sign3A_79, %sign3A_86 : i32
      %rem3A_87 = arith.remsi %add3A_69, %jit3A : i32
      %ne3A_88 = arith.constant 0 : i32
      %ne3A_89 = arith.cmpi ne, %rem3A_87, %ne3A_88 : i32
      %and3A = arith.andi %ne3A, %ne3A_89 : i1
      %sub3A = arith.constant 1 : i32
      %sub3A_90 = arith.subi %div3A, %sub3A : i32
      %select_n3A = arith.select %and3A, %sub3A_90, %div3A : i32
      %rem3A_91 = arith.constant 4 : i32
      %rem3A_92 = arith.remsi %add3A_69, %rem3A_91 : i32
      %mul3A_93 = arith.constant 16 : i32
      %mul3A_94 = arith.muli %add3A, %mul3A_93 : i32
      %add3A_95 = arith.addi %mul3A_94, %select_n3A : i32
      %mul3A_96 = arith.constant 16 : i32
      %mul3A_97 = arith.muli %add3A_95, %mul3A_96 : i32
      %mul3A_98 = arith.constant 1024 : i32
      %mul3A_99 = arith.muli %rem3A_92, %mul3A_98 : i32
      %dma_wait3A_100 = tpu.memref_slice %arg2[%mul3A_97, %mul3A_99] : memref<8192x4096xf32, #tpu.memory_space<hbm>> -> memref<16x1024xf32, #tpu.memory_space<hbm>>
      %dma_wait3A_101 = tpu.memref_slice %arg2[%mul3A_97, %mul3A_99] : memref<8192x4096xf32, #tpu.memory_space<hbm>> -> memref<16x1024xf32, #tpu.memory_space<hbm>>
      tpu.wait_dma2 semaphore(%arg8 : memref<!tpu.dma_semaphore, #tpu.memory_space<semaphore_mem>>) src(%dma_wait3A_101 : memref<16x1024xf32, #tpu.memory_space<hbm>>) dst(%arg4 : memref<16x1024xf32, #tpu.memory_space<vmem>>)
      %ge3A = arith.constant 1 : i32
      %ge3A_102 = arith.cmpi sge, %scan3A_49, %ge3A : i32
      %convert_element_type3A_103 = arith.extui %ge3A_102 : i1 to i32
      %cond3A_104 = arith.constant 0 : i32
      %cond3A_105 = arith.cmpi ne, %convert_element_type3A_103, %cond3A_104 : i32
      scf.if %cond3A_105 {
        %jit3A_308 = arith.constant 4 : i32
        %div3A_309 = arith.divsi %add3A_69, %jit3A_308 : i32
        %sign3A_310 = arith.constant 0 : i32
        %sign3A_311 = arith.cmpi sgt, %add3A_69, %sign3A_310 : i32
        %sign3A_312 = arith.extui %sign3A_311 : i1 to i32
        %sign3A_313 = arith.constant 0 : i32
        %sign3A_314 = arith.cmpi slt, %add3A_69, %sign3A_313 : i32
        %sign3A_315 = arith.extui %sign3A_314 : i1 to i32
        %sign3A_316 = arith.subi %sign3A_312, %sign3A_315 : i32
        %sign3A_317 = arith.constant 0 : i32
        %sign3A_318 = arith.cmpi sgt, %jit3A_308, %sign3A_317 : i32
        %sign3A_319 = arith.extui %sign3A_318 : i1 to i32
        %sign3A_320 = arith.constant 0 : i32
        %sign3A_321 = arith.cmpi slt, %jit3A_308, %sign3A_320 : i32
        %sign3A_322 = arith.extui %sign3A_321 : i1 to i32
        %sign3A_323 = arith.subi %sign3A_319, %sign3A_322 : i32
        %ne3A_324 = arith.cmpi ne, %sign3A_316, %sign3A_323 : i32
        %rem3A_325 = arith.remsi %add3A_69, %jit3A_308 : i32
        %ne3A_326 = arith.constant 0 : i32
        %ne3A_327 = arith.cmpi ne, %rem3A_325, %ne3A_326 : i32
        %and3A_328 = arith.andi %ne3A_324, %ne3A_327 : i1
        %sub3A_329 = arith.constant 1 : i32
        %sub3A_330 = arith.subi %div3A_309, %sub3A_329 : i32
        %select_n3A_331 = arith.select %and3A_328, %sub3A_330, %div3A_309 : i32
        %rem3A_332 = arith.constant 4 : i32
        %rem3A_333 = arith.remsi %add3A_69, %rem3A_332 : i32
        %mul3A_334 = arith.constant 16 : i32
        %mul3A_335 = arith.muli %add3A, %mul3A_334 : i32
        %add3A_336 = arith.addi %mul3A_335, %select_n3A_331 : i32
        %mul3A_337 = arith.constant 16 : i32
        %mul3A_338 = arith.muli %add3A_336, %mul3A_337 : i32
        %mul3A_339 = arith.constant 1024 : i32
        %mul3A_340 = arith.muli %rem3A_333, %mul3A_339 : i32
        %dma_wait3A_341 = tpu.memref_slice %arg3[%mul3A_338, %mul3A_340] : memref<8192x4096xf32, #tpu.memory_space<hbm>> -> memref<16x1024xf32, #tpu.memory_space<hbm>>
        %dma_wait3A_342 = tpu.memref_slice %arg3[%mul3A_338, %mul3A_340] : memref<8192x4096xf32, #tpu.memory_space<hbm>> -> memref<16x1024xf32, #tpu.memory_space<hbm>>
        tpu.wait_dma2 semaphore(%arg10 : memref<!tpu.dma_semaphore, #tpu.memory_space<semaphore_mem>>) src(%arg6 : memref<16x1024xf32, #tpu.memory_space<vmem>>) dst(%dma_wait3A_342 : memref<16x1024xf32, #tpu.memory_space<hbm>>)
      } else {
      }
      %rem3A_106 = arith.constant 4 : i32
      %rem3A_107 = arith.remsi %add3A_69, %rem3A_106 : i32
      %ne3A_108 = arith.constant 0 : i32
      %ne3A_109 = arith.cmpi ne, %rem3A_107, %ne3A_108 : i32
      %convert_element_type3A_110 = arith.extui %ne3A_109 : i1 to i32
      %convert_element_type3A_111 = arith.sitofp %convert_element_type3A_110 : i32 to f32
      %mul3A_112 = vector.broadcast %convert_element_type3A_111 : f32 to vector<16xf32>
      %mul3A_113 = arith.mulf %scan3A_50, %mul3A_112 : vector<16xf32>
      %mul3A_114 = vector.broadcast %convert_element_type3A_111 : f32 to vector<16xf32>
      %mul3A_115 = arith.mulf %scan3A_51, %mul3A_114 : vector<16xf32>
      %mul3A_116 = vector.broadcast %convert_element_type3A_111 : f32 to vector<16xf32>
      %mul3A_117 = arith.mulf %scan3A_52, %mul3A_116 : vector<16xf32>
      %mul3A_118 = vector.broadcast %convert_element_type3A_111 : f32 to vector<16xf32>
      %mul3A_119 = arith.mulf %scan3A_53, %mul3A_118 : vector<16xf32>
      %mul3A_120 = vector.broadcast %convert_element_type3A_111 : f32 to vector<16xf32>
      %mul3A_121 = arith.mulf %scan3A_54, %mul3A_120 : vector<16xf32>
      %mul3A_122 = vector.broadcast %convert_element_type3A_111 : f32 to vector<16xf32>
      %mul3A_123 = arith.mulf %scan3A_55, %mul3A_122 : vector<16xf32>
      %mul3A_124 = vector.broadcast %convert_element_type3A_111 : f32 to vector<16xf32>
      %mul3A_125 = arith.mulf %scan3A_56, %mul3A_124 : vector<16xf32>
      %mul3A_126 = vector.broadcast %convert_element_type3A_111 : f32 to vector<16xf32>
      %mul3A_127 = arith.mulf %scan3A_57, %mul3A_126 : vector<16xf32>
      %mul3A_128 = vector.broadcast %convert_element_type3A_111 : f32 to vector<16xf32>
      %mul3A_129 = arith.mulf %scan3A_58, %mul3A_128 : vector<16xf32>
      %mul3A_130 = vector.broadcast %convert_element_type3A_111 : f32 to vector<16xf32>
      %mul3A_131 = arith.mulf %scan3A_59, %mul3A_130 : vector<16xf32>
      %mul3A_132 = vector.broadcast %convert_element_type3A_111 : f32 to vector<16xf32>
      %mul3A_133 = arith.mulf %scan3A_60, %mul3A_132 : vector<16xf32>
      %mul3A_134 = vector.broadcast %convert_element_type3A_111 : f32 to vector<16xf32>
      %mul3A_135 = arith.mulf %scan3A_61, %mul3A_134 : vector<16xf32>
      %mul3A_136 = vector.broadcast %convert_element_type3A_111 : f32 to vector<16xf32>
      %mul3A_137 = arith.mulf %scan3A_62, %mul3A_136 : vector<16xf32>
      %mul3A_138 = vector.broadcast %convert_element_type3A_111 : f32 to vector<16xf32>
      %mul3A_139 = arith.mulf %scan3A_63, %mul3A_138 : vector<16xf32>
      %mul3A_140 = vector.broadcast %convert_element_type3A_111 : f32 to vector<16xf32>
      %mul3A_141 = arith.mulf %scan3A_64, %mul3A_140 : vector<16xf32>
      %mul3A_142 = vector.broadcast %convert_element_type3A_111 : f32 to vector<16xf32>
      %mul3A_143 = arith.mulf %scan3A_65, %mul3A_142 : vector<16xf32>
      %parallel_loop3A = arith.constant 0 : i32
      %parallel_loop3A_144 = arith.constant 64 : i32
      %parallel_loop3A_145 = arith.constant 1 : i32
      %parallel_loop3A_146:16 = scf.for %parallel_loop3A_308 = %parallel_loop3A to %parallel_loop3A_144 step %parallel_loop3A_145 iter_args(%parallel_loop3A_309 = %mul3A_113, %parallel_loop3A_310 = %mul3A_115, %parallel_loop3A_311 = %mul3A_117, %parallel_loop3A_312 = %mul3A_119, %parallel_loop3A_313 = %mul3A_121, %parallel_loop3A_314 = %mul3A_123, %parallel_loop3A_315 = %mul3A_125, %parallel_loop3A_316 = %mul3A_127, %parallel_loop3A_317 = %mul3A_129, %parallel_loop3A_318 = %mul3A_131, %parallel_loop3A_319 = %mul3A_133, %parallel_loop3A_320 = %mul3A_135, %parallel_loop3A_321 = %mul3A_137, %parallel_loop3A_322 = %mul3A_139, %parallel_loop3A_323 = %mul3A_141, %parallel_loop3A_324 = %mul3A_143) -> (vector<16xf32>, vector<16xf32>, vector<16xf32>, vector<16xf32>, vector<16xf32>, vector<16xf32>, vector<16xf32>, vector<16xf32>, vector<16xf32>, vector<16xf32>, vector<16xf32>, vector<16xf32>, vector<16xf32>, vector<16xf32>, vector<16xf32>, vector<16xf32>)  : i32 {
        %parallel_loop3A_325 = arith.constant 16 : i32
        %parallel_loop3A_326 = arith.muli %parallel_loop3A_308, %parallel_loop3A_325 : i32
        %parallel_loop3A_327 = arith.constant 0 : i32
        %parallel_loop3A_328 = arith.index_cast %parallel_loop3A_327 : i32 to index
        %parallel_loop3A_329 = arith.index_cast %parallel_loop3A_326 : i32 to index
        %parallel_loop3A_330 = tpu.vector_load %arg4[%parallel_loop3A_328, %parallel_loop3A_329] {strides = array<i32>} : memref<16x1024xf32, #tpu.memory_space<vmem>>, vector<16xf32>,
        %parallel_loop3A_331 = arith.constant true
        %parallel_loop3A_332 = vector.broadcast %parallel_loop3A_331 : i1 to vector<16xi1>
        %parallel_loop3A_333 = tpu.scan <sum>, %parallel_loop3A_330 masked %parallel_loop3A_332 : vector<16xf32>, vector<16xi1> -> vector<16xf32>
        %parallel_loop3A_334 = arith.addf %parallel_loop3A_333, %parallel_loop3A_309 : vector<16xf32>
        %parallel_loop3A_335 = arith.constant 16 : i32
        %parallel_loop3A_336 = arith.muli %parallel_loop3A_308, %parallel_loop3A_335 : i32
        %parallel_loop3A_337 = arith.constant 0 : i32
        %parallel_loop3A_338 = arith.index_cast %parallel_loop3A_337 : i32 to index
        %parallel_loop3A_339 = arith.index_cast %parallel_loop3A_336 : i32 to index
        %parallel_loop3A_340 = tpu.vector_load %arg6[%parallel_loop3A_338, %parallel_loop3A_339] {strides = array<i32>} : memref<16x1024xf32, #tpu.memory_space<vmem>>, vector<16xf32>,
        tpu.vector_store %arg6[%parallel_loop3A_338, %parallel_loop3A_339], %parallel_loop3A_334 {strides = array<i32>} : memref<16x1024xf32, #tpu.memory_space<vmem>>, vector<16xf32>,
        %parallel_loop3A_341 = arith.constant 0 : i32
        %parallel_loop3A_342 = vector.broadcast %parallel_loop3A_341 : i32 to vector<16xi32>
        %parallel_loop3A_343 = arith.cmpi slt, %add3A_17, %parallel_loop3A_342 : vector<16xi32>
        %parallel_loop3A_344 = arith.constant 16 : i32
        %parallel_loop3A_345 = vector.broadcast %parallel_loop3A_344 : i32 to vector<16xi32>
        %parallel_loop3A_346 = arith.addi %add3A_17, %parallel_loop3A_345 : vector<16xi32>
        %parallel_loop3A_347 = arith.select %parallel_loop3A_343, %parallel_loop3A_346, %add3A_17 : vector<16xi1>, vector<16xi32>
        %parallel_loop3A_348 = vector.shape_cast %parallel_loop3A_347 : vector<16xi32> to vector<16x1xi32>
        %parallel_loop3A_349 = vector.shape_cast %parallel_loop3A_348 : vector<16x1xi32> to vector<16xi32>
        %parallel_loop3A_350 = tpu.dynamic_gather %parallel_loop3A_334[%parallel_loop3A_349] in [0] : vector<16xf32>, vector<16xi32> -> vector<16xf32>
        %parallel_loop3A_351 = arith.constant 16 : i32
        %parallel_loop3A_352 = arith.muli %parallel_loop3A_308, %parallel_loop3A_351 : i32
        %parallel_loop3A_353 = arith.constant 1 : i32
        %parallel_loop3A_354 = arith.index_cast %parallel_loop3A_353 : i32 to index
        %parallel_loop3A_355 = arith.index_cast %parallel_loop3A_352 : i32 to index
        %parallel_loop3A_356 = tpu.vector_load %arg4[%parallel_loop3A_354, %parallel_loop3A_355] {strides = array<i32>} : memref<16x1024xf32, #tpu.memory_space<vmem>>, vector<16xf32>,
        %parallel_loop3A_357 = arith.constant true
        %parallel_loop3A_358 = vector.broadcast %parallel_loop3A_357 : i1 to vector<16xi1>
        %parallel_loop3A_359 = tpu.scan <sum>, %parallel_loop3A_356 masked %parallel_loop3A_358 : vector<16xf32>, vector<16xi1> -> vector<16xf32>
        %parallel_loop3A_360 = arith.addf %parallel_loop3A_359, %parallel_loop3A_310 : vector<16xf32>
        %parallel_loop3A_361 = arith.constant 16 : i32
        %parallel_loop3A_362 = arith.muli %parallel_loop3A_308, %parallel_loop3A_361 : i32
        %parallel_loop3A_363 = arith.constant 1 : i32
        %parallel_loop3A_364 = arith.index_cast %parallel_loop3A_363 : i32 to index
        %parallel_loop3A_365 = arith.index_cast %parallel_loop3A_362 : i32 to index
        %parallel_loop3A_366 = tpu.vector_load %arg6[%parallel_loop3A_364, %parallel_loop3A_365] {strides = array<i32>} : memref<16x1024xf32, #tpu.memory_space<vmem>>, vector<16xf32>,
        tpu.vector_store %arg6[%parallel_loop3A_364, %parallel_loop3A_365], %parallel_loop3A_360 {strides = array<i32>} : memref<16x1024xf32, #tpu.memory_space<vmem>>, vector<16xf32>,
        %parallel_loop3A_367 = arith.constant 0 : i32
        %parallel_loop3A_368 = vector.broadcast %parallel_loop3A_367 : i32 to vector<16xi32>
        %parallel_loop3A_369 = arith.cmpi slt, %add3A_17, %parallel_loop3A_368 : vector<16xi32>
        %parallel_loop3A_370 = arith.constant 16 : i32
        %parallel_loop3A_371 = vector.broadcast %parallel_loop3A_370 : i32 to vector<16xi32>
        %parallel_loop3A_372 = arith.addi %add3A_17, %parallel_loop3A_371 : vector<16xi32>
        %parallel_loop3A_373 = arith.select %parallel_loop3A_369, %parallel_loop3A_372, %add3A_17 : vector<16xi1>, vector<16xi32>
        %parallel_loop3A_374 = vector.shape_cast %parallel_loop3A_373 : vector<16xi32> to vector<16x1xi32>
        %parallel_loop3A_375 = vector.shape_cast %parallel_loop3A_374 : vector<16x1xi32> to vector<16xi32>
        %parallel_loop3A_376 = tpu.dynamic_gather %parallel_loop3A_360[%parallel_loop3A_375] in [0] : vector<16xf32>, vector<16xi32> -> vector<16xf32>
        %parallel_loop3A_377 = arith.constant 16 : i32
        %parallel_loop3A_378 = arith.muli %parallel_loop3A_308, %parallel_loop3A_377 : i32
        %parallel_loop3A_379 = arith.constant 2 : i32
        %parallel_loop3A_380 = arith.index_cast %parallel_loop3A_379 : i32 to index
        %parallel_loop3A_381 = arith.index_cast %parallel_loop3A_378 : i32 to index
        %parallel_loop3A_382 = tpu.vector_load %arg4[%parallel_loop3A_380, %parallel_loop3A_381] {strides = array<i32>} : memref<16x1024xf32, #tpu.memory_space<vmem>>, vector<16xf32>,
        %parallel_loop3A_383 = arith.constant true
        %parallel_loop3A_384 = vector.broadcast %parallel_loop3A_383 : i1 to vector<16xi1>
        %parallel_loop3A_385 = tpu.scan <sum>, %parallel_loop3A_382 masked %parallel_loop3A_384 : vector<16xf32>, vector<16xi1> -> vector<16xf32>
        %parallel_loop3A_386 = arith.addf %parallel_loop3A_385, %parallel_loop3A_311 : vector<16xf32>
        %parallel_loop3A_387 = arith.constant 16 : i32
        %parallel_loop3A_388 = arith.muli %parallel_loop3A_308, %parallel_loop3A_387 : i32
        %parallel_loop3A_389 = arith.constant 2 : i32
        %parallel_loop3A_390 = arith.index_cast %parallel_loop3A_389 : i32 to index
        %parallel_loop3A_391 = arith.index_cast %parallel_loop3A_388 : i32 to index
        %parallel_loop3A_392 = tpu.vector_load %arg6[%parallel_loop3A_390, %parallel_loop3A_391] {strides = array<i32>} : memref<16x1024xf32, #tpu.memory_space<vmem>>, vector<16xf32>,
        tpu.vector_store %arg6[%parallel_loop3A_390, %parallel_loop3A_391], %parallel_loop3A_386 {strides = array<i32>} : memref<16x1024xf32, #tpu.memory_space<vmem>>, vector<16xf32>,
        %parallel_loop3A_393 = arith.constant 0 : i32
        %parallel_loop3A_394 = vector.broadcast %parallel_loop3A_393 : i32 to vector<16xi32>
        %parallel_loop3A_395 = arith.cmpi slt, %add3A_17, %parallel_loop3A_394 : vector<16xi32>
        %parallel_loop3A_396 = arith.constant 16 : i32
        %parallel_loop3A_397 = vector.broadcast %parallel_loop3A_396 : i32 to vector<16xi32>
        %parallel_loop3A_398 = arith.addi %add3A_17, %parallel_loop3A_397 : vector<16xi32>
        %parallel_loop3A_399 = arith.select %parallel_loop3A_395, %parallel_loop3A_398, %add3A_17 : vector<16xi1>, vector<16xi32>
        %parallel_loop3A_400 = vector.shape_cast %parallel_loop3A_399 : vector<16xi32> to vector<16x1xi32>
        %parallel_loop3A_401 = vector.shape_cast %parallel_loop3A_400 : vector<16x1xi32> to vector<16xi32>
        %parallel_loop3A_402 = tpu.dynamic_gather %parallel_loop3A_386[%parallel_loop3A_401] in [0] : vector<16xf32>, vector<16xi32> -> vector<16xf32>
        %parallel_loop3A_403 = arith.constant 16 : i32
        %parallel_loop3A_404 = arith.muli %parallel_loop3A_308, %parallel_loop3A_403 : i32
        %parallel_loop3A_405 = arith.constant 3 : i32
        %parallel_loop3A_406 = arith.index_cast %parallel_loop3A_405 : i32 to index
        %parallel_loop3A_407 = arith.index_cast %parallel_loop3A_404 : i32 to index
        %parallel_loop3A_408 = tpu.vector_load %arg4[%parallel_loop3A_406, %parallel_loop3A_407] {strides = array<i32>} : memref<16x1024xf32, #tpu.memory_space<vmem>>, vector<16xf32>,
        %parallel_loop3A_409 = arith.constant true
        %parallel_loop3A_410 = vector.broadcast %parallel_loop3A_409 : i1 to vector<16xi1>
        %parallel_loop3A_411 = tpu.scan <sum>, %parallel_loop3A_408 masked %parallel_loop3A_410 : vector<16xf32>, vector<16xi1> -> vector<16xf32>
        %parallel_loop3A_412 = arith.addf %parallel_loop3A_411, %parallel_loop3A_312 : vector<16xf32>
        %parallel_loop3A_413 = arith.constant 16 : i32
        %parallel_loop3A_414 = arith.muli %parallel_loop3A_308, %parallel_loop3A_413 : i32
        %parallel_loop3A_415 = arith.constant 3 : i32
        %parallel_loop3A_416 = arith.index_cast %parallel_loop3A_415 : i32 to index
        %parallel_loop3A_417 = arith.index_cast %parallel_loop3A_414 : i32 to index
        %parallel_loop3A_418 = tpu.vector_load %arg6[%parallel_loop3A_416, %parallel_loop3A_417] {strides = array<i32>} : memref<16x1024xf32, #tpu.memory_space<vmem>>, vector<16xf32>,
        tpu.vector_store %arg6[%parallel_loop3A_416, %parallel_loop3A_417], %parallel_loop3A_412 {strides = array<i32>} : memref<16x1024xf32, #tpu.memory_space<vmem>>, vector<16xf32>,
        %parallel_loop3A_419 = arith.constant 0 : i32
        %parallel_loop3A_420 = vector.broadcast %parallel_loop3A_419 : i32 to vector<16xi32>
        %parallel_loop3A_421 = arith.cmpi slt, %add3A_17, %parallel_loop3A_420 : vector<16xi32>
        %parallel_loop3A_422 = arith.constant 16 : i32
        %parallel_loop3A_423 = vector.broadcast %parallel_loop3A_422 : i32 to vector<16xi32>
        %parallel_loop3A_424 = arith.addi %add3A_17, %parallel_loop3A_423 : vector<16xi32>
        %parallel_loop3A_425 = arith.select %parallel_loop3A_421, %parallel_loop3A_424, %add3A_17 : vector<16xi1>, vector<16xi32>
        %parallel_loop3A_426 = vector.shape_cast %parallel_loop3A_425 : vector<16xi32> to vector<16x1xi32>
        %parallel_loop3A_427 = vector.shape_cast %parallel_loop3A_426 : vector<16x1xi32> to vector<16xi32>
        %parallel_loop3A_428 = tpu.dynamic_gather %parallel_loop3A_412[%parallel_loop3A_427] in [0] : vector<16xf32>, vector<16xi32> -> vector<16xf32>
        %parallel_loop3A_429 = arith.constant 16 : i32
        %parallel_loop3A_430 = arith.muli %parallel_loop3A_308, %parallel_loop3A_429 : i32
        %parallel_loop3A_431 = arith.constant 4 : i32
        %parallel_loop3A_432 = arith.index_cast %parallel_loop3A_431 : i32 to index
        %parallel_loop3A_433 = arith.index_cast %parallel_loop3A_430 : i32 to index
        %parallel_loop3A_434 = tpu.vector_load %arg4[%parallel_loop3A_432, %parallel_loop3A_433] {strides = array<i32>} : memref<16x1024xf32, #tpu.memory_space<vmem>>, vector<16xf32>,
        %parallel_loop3A_435 = arith.constant true
        %parallel_loop3A_436 = vector.broadcast %parallel_loop3A_435 : i1 to vector<16xi1>
        %parallel_loop3A_437 = tpu.scan <sum>, %parallel_loop3A_434 masked %parallel_loop3A_436 : vector<16xf32>, vector<16xi1> -> vector<16xf32>
        %parallel_loop3A_438 = arith.addf %parallel_loop3A_437, %parallel_loop3A_313 : vector<16xf32>
        %parallel_loop3A_439 = arith.constant 16 : i32
        %parallel_loop3A_440 = arith.muli %parallel_loop3A_308, %parallel_loop3A_439 : i32
        %parallel_loop3A_441 = arith.constant 4 : i32
        %parallel_loop3A_442 = arith.index_cast %parallel_loop3A_441 : i32 to index
        %parallel_loop3A_443 = arith.index_cast %parallel_loop3A_440 : i32 to index
        %parallel_loop3A_444 = tpu.vector_load %arg6[%parallel_loop3A_442, %parallel_loop3A_443] {strides = array<i32>} : memref<16x1024xf32, #tpu.memory_space<vmem>>, vector<16xf32>,
        tpu.vector_store %arg6[%parallel_loop3A_442, %parallel_loop3A_443], %parallel_loop3A_438 {strides = array<i32>} : memref<16x1024xf32, #tpu.memory_space<vmem>>, vector<16xf32>,
        %parallel_loop3A_445 = arith.constant 0 : i32
        %parallel_loop3A_446 = vector.broadcast %parallel_loop3A_445 : i32 to vector<16xi32>
        %parallel_loop3A_447 = arith.cmpi slt, %add3A_17, %parallel_loop3A_446 : vector<16xi32>
        %parallel_loop3A_448 = arith.constant 16 : i32
        %parallel_loop3A_449 = vector.broadcast %parallel_loop3A_448 : i32 to vector<16xi32>
        %parallel_loop3A_450 = arith.addi %add3A_17, %parallel_loop3A_449 : vector<16xi32>
        %parallel_loop3A_451 = arith.select %parallel_loop3A_447, %parallel_loop3A_450, %add3A_17 : vector<16xi1>, vector<16xi32>
        %parallel_loop3A_452 = vector.shape_cast %parallel_loop3A_451 : vector<16xi32> to vector<16x1xi32>
        %parallel_loop3A_453 = vector.shape_cast %parallel_loop3A_452 : vector<16x1xi32> to vector<16xi32>
        %parallel_loop3A_454 = tpu.dynamic_gather %parallel_loop3A_438[%parallel_loop3A_453] in [0] : vector<16xf32>, vector<16xi32> -> vector<16xf32>
        %parallel_loop3A_455 = arith.constant 16 : i32
        %parallel_loop3A_456 = arith.muli %parallel_loop3A_308, %parallel_loop3A_455 : i32
        %parallel_loop3A_457 = arith.constant 5 : i32
        %parallel_loop3A_458 = arith.index_cast %parallel_loop3A_457 : i32 to index
        %parallel_loop3A_459 = arith.index_cast %parallel_loop3A_456 : i32 to index
        %parallel_loop3A_460 = tpu.vector_load %arg4[%parallel_loop3A_458, %parallel_loop3A_459] {strides = array<i32>} : memref<16x1024xf32, #tpu.memory_space<vmem>>, vector<16xf32>,
        %parallel_loop3A_461 = arith.constant true
        %parallel_loop3A_462 = vector.broadcast %parallel_loop3A_461 : i1 to vector<16xi1>
        %parallel_loop3A_463 = tpu.scan <sum>, %parallel_loop3A_460 masked %parallel_loop3A_462 : vector<16xf32>, vector<16xi1> -> vector<16xf32>
        %parallel_loop3A_464 = arith.addf %parallel_loop3A_463, %parallel_loop3A_314 : vector<16xf32>
        %parallel_loop3A_465 = arith.constant 16 : i32
        %parallel_loop3A_466 = arith.muli %parallel_loop3A_308, %parallel_loop3A_465 : i32
        %parallel_loop3A_467 = arith.constant 5 : i32
        %parallel_loop3A_468 = arith.index_cast %parallel_loop3A_467 : i32 to index
        %parallel_loop3A_469 = arith.index_cast %parallel_loop3A_466 : i32 to index
        %parallel_loop3A_470 = tpu.vector_load %arg6[%parallel_loop3A_468, %parallel_loop3A_469] {strides = array<i32>} : memref<16x1024xf32, #tpu.memory_space<vmem>>, vector<16xf32>,
        tpu.vector_store %arg6[%parallel_loop3A_468, %parallel_loop3A_469], %parallel_loop3A_464 {strides = array<i32>} : memref<16x1024xf32, #tpu.memory_space<vmem>>, vector<16xf32>,
        %parallel_loop3A_471 = arith.constant 0 : i32
        %parallel_loop3A_472 = vector.broadcast %parallel_loop3A_471 : i32 to vector<16xi32>
        %parallel_loop3A_473 = arith.cmpi slt, %add3A_17, %parallel_loop3A_472 : vector<16xi32>
        %parallel_loop3A_474 = arith.constant 16 : i32
        %parallel_loop3A_475 = vector.broadcast %parallel_loop3A_474 : i32 to vector<16xi32>
        %parallel_loop3A_476 = arith.addi %add3A_17, %parallel_loop3A_475 : vector<16xi32>
        %parallel_loop3A_477 = arith.select %parallel_loop3A_473, %parallel_loop3A_476, %add3A_17 : vector<16xi1>, vector<16xi32>
        %parallel_loop3A_478 = vector.shape_cast %parallel_loop3A_477 : vector<16xi32> to vector<16x1xi32>
        %parallel_loop3A_479 = vector.shape_cast %parallel_loop3A_478 : vector<16x1xi32> to vector<16xi32>
        %parallel_loop3A_480 = tpu.dynamic_gather %parallel_loop3A_464[%parallel_loop3A_479] in [0] : vector<16xf32>, vector<16xi32> -> vector<16xf32>
        %parallel_loop3A_481 = arith.constant 16 : i32
        %parallel_loop3A_482 = arith.muli %parallel_loop3A_308, %parallel_loop3A_481 : i32
        %parallel_loop3A_483 = arith.constant 6 : i32
        %parallel_loop3A_484 = arith.index_cast %parallel_loop3A_483 : i32 to index
        %parallel_loop3A_485 = arith.index_cast %parallel_loop3A_482 : i32 to index
        %parallel_loop3A_486 = tpu.vector_load %arg4[%parallel_loop3A_484, %parallel_loop3A_485] {strides = array<i32>} : memref<16x1024xf32, #tpu.memory_space<vmem>>, vector<16xf32>,
        %parallel_loop3A_487 = arith.constant true
        %parallel_loop3A_488 = vector.broadcast %parallel_loop3A_487 : i1 to vector<16xi1>
        %parallel_loop3A_489 = tpu.scan <sum>, %parallel_loop3A_486 masked %parallel_loop3A_488 : vector<16xf32>, vector<16xi1> -> vector<16xf32>
        %parallel_loop3A_490 = arith.addf %parallel_loop3A_489, %parallel_loop3A_315 : vector<16xf32>
        %parallel_loop3A_491 = arith.constant 16 : i32
        %parallel_loop3A_492 = arith.muli %parallel_loop3A_308, %parallel_loop3A_491 : i32
        %parallel_loop3A_493 = arith.constant 6 : i32
        %parallel_loop3A_494 = arith.index_cast %parallel_loop3A_493 : i32 to index
        %parallel_loop3A_495 = arith.index_cast %parallel_loop3A_492 : i32 to index
        %parallel_loop3A_496 = tpu.vector_load %arg6[%parallel_loop3A_494, %parallel_loop3A_495] {strides = array<i32>} : memref<16x1024xf32, #tpu.memory_space<vmem>>, vector<16xf32>,
        tpu.vector_store %arg6[%parallel_loop3A_494, %parallel_loop3A_495], %parallel_loop3A_490 {strides = array<i32>} : memref<16x1024xf32, #tpu.memory_space<vmem>>, vector<16xf32>,
        %parallel_loop3A_497 = arith.constant 0 : i32
        %parallel_loop3A_498 = vector.broadcast %parallel_loop3A_497 : i32 to vector<16xi32>
        %parallel_loop3A_499 = arith.cmpi slt, %add3A_17, %parallel_loop3A_498 : vector<16xi32>
        %parallel_loop3A_500 = arith.constant 16 : i32
        %parallel_loop3A_501 = vector.broadcast %parallel_loop3A_500 : i32 to vector<16xi32>
        %parallel_loop3A_502 = arith.addi %add3A_17, %parallel_loop3A_501 : vector<16xi32>
        %parallel_loop3A_503 = arith.select %parallel_loop3A_499, %parallel_loop3A_502, %add3A_17 : vector<16xi1>, vector<16xi32>
        %parallel_loop3A_504 = vector.shape_cast %parallel_loop3A_503 : vector<16xi32> to vector<16x1xi32>
        %parallel_loop3A_505 = vector.shape_cast %parallel_loop3A_504 : vector<16x1xi32> to vector<16xi32>
        %parallel_loop3A_506 = tpu.dynamic_gather %parallel_loop3A_490[%parallel_loop3A_505] in [0] : vector<16xf32>, vector<16xi32> -> vector<16xf32>
        %parallel_loop3A_507 = arith.constant 16 : i32
        %parallel_loop3A_508 = arith.muli %parallel_loop3A_308, %parallel_loop3A_507 : i32
        %parallel_loop3A_509 = arith.constant 7 : i32
        %parallel_loop3A_510 = arith.index_cast %parallel_loop3A_509 : i32 to index
        %parallel_loop3A_511 = arith.index_cast %parallel_loop3A_508 : i32 to index
        %parallel_loop3A_512 = tpu.vector_load %arg4[%parallel_loop3A_510, %parallel_loop3A_511] {strides = array<i32>} : memref<16x1024xf32, #tpu.memory_space<vmem>>, vector<16xf32>,
        %parallel_loop3A_513 = arith.constant true
        %parallel_loop3A_514 = vector.broadcast %parallel_loop3A_513 : i1 to vector<16xi1>
        %parallel_loop3A_515 = tpu.scan <sum>, %parallel_loop3A_512 masked %parallel_loop3A_514 : vector<16xf32>, vector<16xi1> -> vector<16xf32>
        %parallel_loop3A_516 = arith.addf %parallel_loop3A_515, %parallel_loop3A_316 : vector<16xf32>
        %parallel_loop3A_517 = arith.constant 16 : i32
        %parallel_loop3A_518 = arith.muli %parallel_loop3A_308, %parallel_loop3A_517 : i32
        %parallel_loop3A_519 = arith.constant 7 : i32
        %parallel_loop3A_520 = arith.index_cast %parallel_loop3A_519 : i32 to index
        %parallel_loop3A_521 = arith.index_cast %parallel_loop3A_518 : i32 to index
        %parallel_loop3A_522 = tpu.vector_load %arg6[%parallel_loop3A_520, %parallel_loop3A_521] {strides = array<i32>} : memref<16x1024xf32, #tpu.memory_space<vmem>>, vector<16xf32>,
        tpu.vector_store %arg6[%parallel_loop3A_520, %parallel_loop3A_521], %parallel_loop3A_516 {strides = array<i32>} : memref<16x1024xf32, #tpu.memory_space<vmem>>, vector<16xf32>,
        %parallel_loop3A_523 = arith.constant 0 : i32
        %parallel_loop3A_524 = vector.broadcast %parallel_loop3A_523 : i32 to vector<16xi32>
        %parallel_loop3A_525 = arith.cmpi slt, %add3A_17, %parallel_loop3A_524 : vector<16xi32>
        %parallel_loop3A_526 = arith.constant 16 : i32
        %parallel_loop3A_527 = vector.broadcast %parallel_loop3A_526 : i32 to vector<16xi32>
        %parallel_loop3A_528 = arith.addi %add3A_17, %parallel_loop3A_527 : vector<16xi32>
        %parallel_loop3A_529 = arith.select %parallel_loop3A_525, %parallel_loop3A_528, %add3A_17 : vector<16xi1>, vector<16xi32>
        %parallel_loop3A_530 = vector.shape_cast %parallel_loop3A_529 : vector<16xi32> to vector<16x1xi32>
        %parallel_loop3A_531 = vector.shape_cast %parallel_loop3A_530 : vector<16x1xi32> to vector<16xi32>
        %parallel_loop3A_532 = tpu.dynamic_gather %parallel_loop3A_516[%parallel_loop3A_531] in [0] : vector<16xf32>, vector<16xi32> -> vector<16xf32>
        %parallel_loop3A_533 = arith.constant 16 : i32
        %parallel_loop3A_534 = arith.muli %parallel_loop3A_308, %parallel_loop3A_533 : i32
        %parallel_loop3A_535 = arith.constant 8 : i32
        %parallel_loop3A_536 = arith.index_cast %parallel_loop3A_535 : i32 to index
        %parallel_loop3A_537 = arith.index_cast %parallel_loop3A_534 : i32 to index
        %parallel_loop3A_538 = tpu.vector_load %arg4[%parallel_loop3A_536, %parallel_loop3A_537] {strides = array<i32>} : memref<16x1024xf32, #tpu.memory_space<vmem>>, vector<16xf32>,
        %parallel_loop3A_539 = arith.constant true
        %parallel_loop3A_540 = vector.broadcast %parallel_loop3A_539 : i1 to vector<16xi1>
        %parallel_loop3A_541 = tpu.scan <sum>, %parallel_loop3A_538 masked %parallel_loop3A_540 : vector<16xf32>, vector<16xi1> -> vector<16xf32>
        %parallel_loop3A_542 = arith.addf %parallel_loop3A_541, %parallel_loop3A_317 : vector<16xf32>
        %parallel_loop3A_543 = arith.constant 16 : i32
        %parallel_loop3A_544 = arith.muli %parallel_loop3A_308, %parallel_loop3A_543 : i32
        %parallel_loop3A_545 = arith.constant 8 : i32
        %parallel_loop3A_546 = arith.index_cast %parallel_loop3A_545 : i32 to index
        %parallel_loop3A_547 = arith.index_cast %parallel_loop3A_544 : i32 to index
        %parallel_loop3A_548 = tpu.vector_load %arg6[%parallel_loop3A_546, %parallel_loop3A_547] {strides = array<i32>} : memref<16x1024xf32, #tpu.memory_space<vmem>>, vector<16xf32>,
        tpu.vector_store %arg6[%parallel_loop3A_546, %parallel_loop3A_547], %parallel_loop3A_542 {strides = array<i32>} : memref<16x1024xf32, #tpu.memory_space<vmem>>, vector<16xf32>,
        %parallel_loop3A_549 = arith.constant 0 : i32
        %parallel_loop3A_550 = vector.broadcast %parallel_loop3A_549 : i32 to vector<16xi32>
        %parallel_loop3A_551 = arith.cmpi slt, %add3A_17, %parallel_loop3A_550 : vector<16xi32>
        %parallel_loop3A_552 = arith.constant 16 : i32
        %parallel_loop3A_553 = vector.broadcast %parallel_loop3A_552 : i32 to vector<16xi32>
        %parallel_loop3A_554 = arith.addi %add3A_17, %parallel_loop3A_553 : vector<16xi32>
        %parallel_loop3A_555 = arith.select %parallel_loop3A_551, %parallel_loop3A_554, %add3A_17 : vector<16xi1>, vector<16xi32>
        %parallel_loop3A_556 = vector.shape_cast %parallel_loop3A_555 : vector<16xi32> to vector<16x1xi32>
        %parallel_loop3A_557 = vector.shape_cast %parallel_loop3A_556 : vector<16x1xi32> to vector<16xi32>
        %parallel_loop3A_558 = tpu.dynamic_gather %parallel_loop3A_542[%parallel_loop3A_557] in [0] : vector<16xf32>, vector<16xi32> -> vector<16xf32>
        %parallel_loop3A_559 = arith.constant 16 : i32
        %parallel_loop3A_560 = arith.muli %parallel_loop3A_308, %parallel_loop3A_559 : i32
        %parallel_loop3A_561 = arith.constant 9 : i32
        %parallel_loop3A_562 = arith.index_cast %parallel_loop3A_561 : i32 to index
        %parallel_loop3A_563 = arith.index_cast %parallel_loop3A_560 : i32 to index
        %parallel_loop3A_564 = tpu.vector_load %arg4[%parallel_loop3A_562, %parallel_loop3A_563] {strides = array<i32>} : memref<16x1024xf32, #tpu.memory_space<vmem>>, vector<16xf32>,
        %parallel_loop3A_565 = arith.constant true
        %parallel_loop3A_566 = vector.broadcast %parallel_loop3A_565 : i1 to vector<16xi1>
        %parallel_loop3A_567 = tpu.scan <sum>, %parallel_loop3A_564 masked %parallel_loop3A_566 : vector<16xf32>, vector<16xi1> -> vector<16xf32>
        %parallel_loop3A_568 = arith.addf %parallel_loop3A_567, %parallel_loop3A_318 : vector<16xf32>
        %parallel_loop3A_569 = arith.constant 16 : i32
        %parallel_loop3A_570 = arith.muli %parallel_loop3A_308, %parallel_loop3A_569 : i32
        %parallel_loop3A_571 = arith.constant 9 : i32
        %parallel_loop3A_572 = arith.index_cast %parallel_loop3A_571 : i32 to index
        %parallel_loop3A_573 = arith.index_cast %parallel_loop3A_570 : i32 to index
        %parallel_loop3A_574 = tpu.vector_load %arg6[%parallel_loop3A_572, %parallel_loop3A_573] {strides = array<i32>} : memref<16x1024xf32, #tpu.memory_space<vmem>>, vector<16xf32>,
        tpu.vector_store %arg6[%parallel_loop3A_572, %parallel_loop3A_573], %parallel_loop3A_568 {strides = array<i32>} : memref<16x1024xf32, #tpu.memory_space<vmem>>, vector<16xf32>,
        %parallel_loop3A_575 = arith.constant 0 : i32
        %parallel_loop3A_576 = vector.broadcast %parallel_loop3A_575 : i32 to vector<16xi32>
        %parallel_loop3A_577 = arith.cmpi slt, %add3A_17, %parallel_loop3A_576 : vector<16xi32>
        %parallel_loop3A_578 = arith.constant 16 : i32
        %parallel_loop3A_579 = vector.broadcast %parallel_loop3A_578 : i32 to vector<16xi32>
        %parallel_loop3A_580 = arith.addi %add3A_17, %parallel_loop3A_579 : vector<16xi32>
        %parallel_loop3A_581 = arith.select %parallel_loop3A_577, %parallel_loop3A_580, %add3A_17 : vector<16xi1>, vector<16xi32>
        %parallel_loop3A_582 = vector.shape_cast %parallel_loop3A_581 : vector<16xi32> to vector<16x1xi32>
        %parallel_loop3A_583 = vector.shape_cast %parallel_loop3A_582 : vector<16x1xi32> to vector<16xi32>
        %parallel_loop3A_584 = tpu.dynamic_gather %parallel_loop3A_568[%parallel_loop3A_583] in [0] : vector<16xf32>, vector<16xi32> -> vector<16xf32>
        %parallel_loop3A_585 = arith.constant 16 : i32
        %parallel_loop3A_586 = arith.muli %parallel_loop3A_308, %parallel_loop3A_585 : i32
        %parallel_loop3A_587 = arith.constant 10 : i32
        %parallel_loop3A_588 = arith.index_cast %parallel_loop3A_587 : i32 to index
        %parallel_loop3A_589 = arith.index_cast %parallel_loop3A_586 : i32 to index
        %parallel_loop3A_590 = tpu.vector_load %arg4[%parallel_loop3A_588, %parallel_loop3A_589] {strides = array<i32>} : memref<16x1024xf32, #tpu.memory_space<vmem>>, vector<16xf32>,
        %parallel_loop3A_591 = arith.constant true
        %parallel_loop3A_592 = vector.broadcast %parallel_loop3A_591 : i1 to vector<16xi1>
        %parallel_loop3A_593 = tpu.scan <sum>, %parallel_loop3A_590 masked %parallel_loop3A_592 : vector<16xf32>, vector<16xi1> -> vector<16xf32>
        %parallel_loop3A_594 = arith.addf %parallel_loop3A_593, %parallel_loop3A_319 : vector<16xf32>
        %parallel_loop3A_595 = arith.constant 16 : i32
        %parallel_loop3A_596 = arith.muli %parallel_loop3A_308, %parallel_loop3A_595 : i32
        %parallel_loop3A_597 = arith.constant 10 : i32
        %parallel_loop3A_598 = arith.index_cast %parallel_loop3A_597 : i32 to index
        %parallel_loop3A_599 = arith.index_cast %parallel_loop3A_596 : i32 to index
        %parallel_loop3A_600 = tpu.vector_load %arg6[%parallel_loop3A_598, %parallel_loop3A_599] {strides = array<i32>} : memref<16x1024xf32, #tpu.memory_space<vmem>>, vector<16xf32>,
        tpu.vector_store %arg6[%parallel_loop3A_598, %parallel_loop3A_599], %parallel_loop3A_594 {strides = array<i32>} : memref<16x1024xf32, #tpu.memory_space<vmem>>, vector<16xf32>,
        %parallel_loop3A_601 = arith.constant 0 : i32
        %parallel_loop3A_602 = vector.broadcast %parallel_loop3A_601 : i32 to vector<16xi32>
        %parallel_loop3A_603 = arith.cmpi slt, %add3A_17, %parallel_loop3A_602 : vector<16xi32>
        %parallel_loop3A_604 = arith.constant 16 : i32
        %parallel_loop3A_605 = vector.broadcast %parallel_loop3A_604 : i32 to vector<16xi32>
        %parallel_loop3A_606 = arith.addi %add3A_17, %parallel_loop3A_605 : vector<16xi32>
        %parallel_loop3A_607 = arith.select %parallel_loop3A_603, %parallel_loop3A_606, %add3A_17 : vector<16xi1>, vector<16xi32>
        %parallel_loop3A_608 = vector.shape_cast %parallel_loop3A_607 : vector<16xi32> to vector<16x1xi32>
        %parallel_loop3A_609 = vector.shape_cast %parallel_loop3A_608 : vector<16x1xi32> to vector<16xi32>
        %parallel_loop3A_610 = tpu.dynamic_gather %parallel_loop3A_594[%parallel_loop3A_609] in [0] : vector<16xf32>, vector<16xi32> -> vector<16xf32>
        %parallel_loop3A_611 = arith.constant 16 : i32
        %parallel_loop3A_612 = arith.muli %parallel_loop3A_308, %parallel_loop3A_611 : i32
        %parallel_loop3A_613 = arith.constant 11 : i32
        %parallel_loop3A_614 = arith.index_cast %parallel_loop3A_613 : i32 to index
        %parallel_loop3A_615 = arith.index_cast %parallel_loop3A_612 : i32 to index
        %parallel_loop3A_616 = tpu.vector_load %arg4[%parallel_loop3A_614, %parallel_loop3A_615] {strides = array<i32>} : memref<16x1024xf32, #tpu.memory_space<vmem>>, vector<16xf32>,
        %parallel_loop3A_617 = arith.constant true
        %parallel_loop3A_618 = vector.broadcast %parallel_loop3A_617 : i1 to vector<16xi1>
        %parallel_loop3A_619 = tpu.scan <sum>, %parallel_loop3A_616 masked %parallel_loop3A_618 : vector<16xf32>, vector<16xi1> -> vector<16xf32>
        %parallel_loop3A_620 = arith.addf %parallel_loop3A_619, %parallel_loop3A_320 : vector<16xf32>
        %parallel_loop3A_621 = arith.constant 16 : i32
        %parallel_loop3A_622 = arith.muli %parallel_loop3A_308, %parallel_loop3A_621 : i32
        %parallel_loop3A_623 = arith.constant 11 : i32
        %parallel_loop3A_624 = arith.index_cast %parallel_loop3A_623 : i32 to index
        %parallel_loop3A_625 = arith.index_cast %parallel_loop3A_622 : i32 to index
        %parallel_loop3A_626 = tpu.vector_load %arg6[%parallel_loop3A_624, %parallel_loop3A_625] {strides = array<i32>} : memref<16x1024xf32, #tpu.memory_space<vmem>>, vector<16xf32>,
        tpu.vector_store %arg6[%parallel_loop3A_624, %parallel_loop3A_625], %parallel_loop3A_620 {strides = array<i32>} : memref<16x1024xf32, #tpu.memory_space<vmem>>, vector<16xf32>,
        %parallel_loop3A_627 = arith.constant 0 : i32
        %parallel_loop3A_628 = vector.broadcast %parallel_loop3A_627 : i32 to vector<16xi32>
        %parallel_loop3A_629 = arith.cmpi slt, %add3A_17, %parallel_loop3A_628 : vector<16xi32>
        %parallel_loop3A_630 = arith.constant 16 : i32
        %parallel_loop3A_631 = vector.broadcast %parallel_loop3A_630 : i32 to vector<16xi32>
        %parallel_loop3A_632 = arith.addi %add3A_17, %parallel_loop3A_631 : vector<16xi32>
        %parallel_loop3A_633 = arith.select %parallel_loop3A_629, %parallel_loop3A_632, %add3A_17 : vector<16xi1>, vector<16xi32>
        %parallel_loop3A_634 = vector.shape_cast %parallel_loop3A_633 : vector<16xi32> to vector<16x1xi32>
        %parallel_loop3A_635 = vector.shape_cast %parallel_loop3A_634 : vector<16x1xi32> to vector<16xi32>
        %parallel_loop3A_636 = tpu.dynamic_gather %parallel_loop3A_620[%parallel_loop3A_635] in [0] : vector<16xf32>, vector<16xi32> -> vector<16xf32>
        %parallel_loop3A_637 = arith.constant 16 : i32
        %parallel_loop3A_638 = arith.muli %parallel_loop3A_308, %parallel_loop3A_637 : i32
        %parallel_loop3A_639 = arith.constant 12 : i32
        %parallel_loop3A_640 = arith.index_cast %parallel_loop3A_639 : i32 to index
        %parallel_loop3A_641 = arith.index_cast %parallel_loop3A_638 : i32 to index
        %parallel_loop3A_642 = tpu.vector_load %arg4[%parallel_loop3A_640, %parallel_loop3A_641] {strides = array<i32>} : memref<16x1024xf32, #tpu.memory_space<vmem>>, vector<16xf32>,
        %parallel_loop3A_643 = arith.constant true
        %parallel_loop3A_644 = vector.broadcast %parallel_loop3A_643 : i1 to vector<16xi1>
        %parallel_loop3A_645 = tpu.scan <sum>, %parallel_loop3A_642 masked %parallel_loop3A_644 : vector<16xf32>, vector<16xi1> -> vector<16xf32>
        %parallel_loop3A_646 = arith.addf %parallel_loop3A_645, %parallel_loop3A_321 : vector<16xf32>
        %parallel_loop3A_647 = arith.constant 16 : i32
        %parallel_loop3A_648 = arith.muli %parallel_loop3A_308, %parallel_loop3A_647 : i32
        %parallel_loop3A_649 = arith.constant 12 : i32
        %parallel_loop3A_650 = arith.index_cast %parallel_loop3A_649 : i32 to index
        %parallel_loop3A_651 = arith.index_cast %parallel_loop3A_648 : i32 to index
        %parallel_loop3A_652 = tpu.vector_load %arg6[%parallel_loop3A_650, %parallel_loop3A_651] {strides = array<i32>} : memref<16x1024xf32, #tpu.memory_space<vmem>>, vector<16xf32>,
        tpu.vector_store %arg6[%parallel_loop3A_650, %parallel_loop3A_651], %parallel_loop3A_646 {strides = array<i32>} : memref<16x1024xf32, #tpu.memory_space<vmem>>, vector<16xf32>,
        %parallel_loop3A_653 = arith.constant 0 : i32
        %parallel_loop3A_654 = vector.broadcast %parallel_loop3A_653 : i32 to vector<16xi32>
        %parallel_loop3A_655 = arith.cmpi slt, %add3A_17, %parallel_loop3A_654 : vector<16xi32>
        %parallel_loop3A_656 = arith.constant 16 : i32
        %parallel_loop3A_657 = vector.broadcast %parallel_loop3A_656 : i32 to vector<16xi32>
        %parallel_loop3A_658 = arith.addi %add3A_17, %parallel_loop3A_657 : vector<16xi32>
        %parallel_loop3A_659 = arith.select %parallel_loop3A_655, %parallel_loop3A_658, %add3A_17 : vector<16xi1>, vector<16xi32>
        %parallel_loop3A_660 = vector.shape_cast %parallel_loop3A_659 : vector<16xi32> to vector<16x1xi32>
        %parallel_loop3A_661 = vector.shape_cast %parallel_loop3A_660 : vector<16x1xi32> to vector<16xi32>
        %parallel_loop3A_662 = tpu.dynamic_gather %parallel_loop3A_646[%parallel_loop3A_661] in [0] : vector<16xf32>, vector<16xi32> -> vector<16xf32>
        %parallel_loop3A_663 = arith.constant 16 : i32
        %parallel_loop3A_664 = arith.muli %parallel_loop3A_308, %parallel_loop3A_663 : i32
        %parallel_loop3A_665 = arith.constant 13 : i32
        %parallel_loop3A_666 = arith.index_cast %parallel_loop3A_665 : i32 to index
        %parallel_loop3A_667 = arith.index_cast %parallel_loop3A_664 : i32 to index
        %parallel_loop3A_668 = tpu.vector_load %arg4[%parallel_loop3A_666, %parallel_loop3A_667] {strides = array<i32>} : memref<16x1024xf32, #tpu.memory_space<vmem>>, vector<16xf32>,
        %parallel_loop3A_669 = arith.constant true
        %parallel_loop3A_670 = vector.broadcast %parallel_loop3A_669 : i1 to vector<16xi1>
        %parallel_loop3A_671 = tpu.scan <sum>, %parallel_loop3A_668 masked %parallel_loop3A_670 : vector<16xf32>, vector<16xi1> -> vector<16xf32>
        %parallel_loop3A_672 = arith.addf %parallel_loop3A_671, %parallel_loop3A_322 : vector<16xf32>
        %parallel_loop3A_673 = arith.constant 16 : i32
        %parallel_loop3A_674 = arith.muli %parallel_loop3A_308, %parallel_loop3A_673 : i32
        %parallel_loop3A_675 = arith.constant 13 : i32
        %parallel_loop3A_676 = arith.index_cast %parallel_loop3A_675 : i32 to index
        %parallel_loop3A_677 = arith.index_cast %parallel_loop3A_674 : i32 to index
        %parallel_loop3A_678 = tpu.vector_load %arg6[%parallel_loop3A_676, %parallel_loop3A_677] {strides = array<i32>} : memref<16x1024xf32, #tpu.memory_space<vmem>>, vector<16xf32>,
        tpu.vector_store %arg6[%parallel_loop3A_676, %parallel_loop3A_677], %parallel_loop3A_672 {strides = array<i32>} : memref<16x1024xf32, #tpu.memory_space<vmem>>, vector<16xf32>,
        %parallel_loop3A_679 = arith.constant 0 : i32
        %parallel_loop3A_680 = vector.broadcast %parallel_loop3A_679 : i32 to vector<16xi32>
        %parallel_loop3A_681 = arith.cmpi slt, %add3A_17, %parallel_loop3A_680 : vector<16xi32>
        %parallel_loop3A_682 = arith.constant 16 : i32
        %parallel_loop3A_683 = vector.broadcast %parallel_loop3A_682 : i32 to vector<16xi32>
        %parallel_loop3A_684 = arith.addi %add3A_17, %parallel_loop3A_683 : vector<16xi32>
        %parallel_loop3A_685 = arith.select %parallel_loop3A_681, %parallel_loop3A_684, %add3A_17 : vector<16xi1>, vector<16xi32>
        %parallel_loop3A_686 = vector.shape_cast %parallel_loop3A_685 : vector<16xi32> to vector<16x1xi32>
        %parallel_loop3A_687 = vector.shape_cast %parallel_loop3A_686 : vector<16x1xi32> to vector<16xi32>
        %parallel_loop3A_688 = tpu.dynamic_gather %parallel_loop3A_672[%parallel_loop3A_687] in [0] : vector<16xf32>, vector<16xi32> -> vector<16xf32>
        %parallel_loop3A_689 = arith.constant 16 : i32
        %parallel_loop3A_690 = arith.muli %parallel_loop3A_308, %parallel_loop3A_689 : i32
        %parallel_loop3A_691 = arith.constant 14 : i32
        %parallel_loop3A_692 = arith.index_cast %parallel_loop3A_691 : i32 to index
        %parallel_loop3A_693 = arith.index_cast %parallel_loop3A_690 : i32 to index
        %parallel_loop3A_694 = tpu.vector_load %arg4[%parallel_loop3A_692, %parallel_loop3A_693] {strides = array<i32>} : memref<16x1024xf32, #tpu.memory_space<vmem>>, vector<16xf32>,
        %parallel_loop3A_695 = arith.constant true
        %parallel_loop3A_696 = vector.broadcast %parallel_loop3A_695 : i1 to vector<16xi1>
        %parallel_loop3A_697 = tpu.scan <sum>, %parallel_loop3A_694 masked %parallel_loop3A_696 : vector<16xf32>, vector<16xi1> -> vector<16xf32>
        %parallel_loop3A_698 = arith.addf %parallel_loop3A_697, %parallel_loop3A_323 : vector<16xf32>
        %parallel_loop3A_699 = arith.constant 16 : i32
        %parallel_loop3A_700 = arith.muli %parallel_loop3A_308, %parallel_loop3A_699 : i32
        %parallel_loop3A_701 = arith.constant 14 : i32
        %parallel_loop3A_702 = arith.index_cast %parallel_loop3A_701 : i32 to index
        %parallel_loop3A_703 = arith.index_cast %parallel_loop3A_700 : i32 to index
        %parallel_loop3A_704 = tpu.vector_load %arg6[%parallel_loop3A_702, %parallel_loop3A_703] {strides = array<i32>} : memref<16x1024xf32, #tpu.memory_space<vmem>>, vector<16xf32>,
        tpu.vector_store %arg6[%parallel_loop3A_702, %parallel_loop3A_703], %parallel_loop3A_698 {strides = array<i32>} : memref<16x1024xf32, #tpu.memory_space<vmem>>, vector<16xf32>,
        %parallel_loop3A_705 = arith.constant 0 : i32
        %parallel_loop3A_706 = vector.broadcast %parallel_loop3A_705 : i32 to vector<16xi32>
        %parallel_loop3A_707 = arith.cmpi slt, %add3A_17, %parallel_loop3A_706 : vector<16xi32>
        %parallel_loop3A_708 = arith.constant 16 : i32
        %parallel_loop3A_709 = vector.broadcast %parallel_loop3A_708 : i32 to vector<16xi32>
        %parallel_loop3A_710 = arith.addi %add3A_17, %parallel_loop3A_709 : vector<16xi32>
        %parallel_loop3A_711 = arith.select %parallel_loop3A_707, %parallel_loop3A_710, %add3A_17 : vector<16xi1>, vector<16xi32>
        %parallel_loop3A_712 = vector.shape_cast %parallel_loop3A_711 : vector<16xi32> to vector<16x1xi32>
        %parallel_loop3A_713 = vector.shape_cast %parallel_loop3A_712 : vector<16x1xi32> to vector<16xi32>
        %parallel_loop3A_714 = tpu.dynamic_gather %parallel_loop3A_698[%parallel_loop3A_713] in [0] : vector<16xf32>, vector<16xi32> -> vector<16xf32>
        %parallel_loop3A_715 = arith.constant 16 : i32
        %parallel_loop3A_716 = arith.muli %parallel_loop3A_308, %parallel_loop3A_715 : i32
        %parallel_loop3A_717 = arith.constant 15 : i32
        %parallel_loop3A_718 = arith.index_cast %parallel_loop3A_717 : i32 to index
        %parallel_loop3A_719 = arith.index_cast %parallel_loop3A_716 : i32 to index
        %parallel_loop3A_720 = tpu.vector_load %arg4[%parallel_loop3A_718, %parallel_loop3A_719] {strides = array<i32>} : memref<16x1024xf32, #tpu.memory_space<vmem>>, vector<16xf32>,
        %parallel_loop3A_721 = arith.constant true
        %parallel_loop3A_722 = vector.broadcast %parallel_loop3A_721 : i1 to vector<16xi1>
        %parallel_loop3A_723 = tpu.scan <sum>, %parallel_loop3A_720 masked %parallel_loop3A_722 : vector<16xf32>, vector<16xi1> -> vector<16xf32>
        %parallel_loop3A_724 = arith.addf %parallel_loop3A_723, %parallel_loop3A_324 : vector<16xf32>
        %parallel_loop3A_725 = arith.constant 16 : i32
        %parallel_loop3A_726 = arith.muli %parallel_loop3A_308, %parallel_loop3A_725 : i32
        %parallel_loop3A_727 = arith.constant 15 : i32
        %parallel_loop3A_728 = arith.index_cast %parallel_loop3A_727 : i32 to index
        %parallel_loop3A_729 = arith.index_cast %parallel_loop3A_726 : i32 to index
        %parallel_loop3A_730 = tpu.vector_load %arg6[%parallel_loop3A_728, %parallel_loop3A_729] {strides = array<i32>} : memref<16x1024xf32, #tpu.memory_space<vmem>>, vector<16xf32>,
        tpu.vector_store %arg6[%parallel_loop3A_728, %parallel_loop3A_729], %parallel_loop3A_724 {strides = array<i32>} : memref<16x1024xf32, #tpu.memory_space<vmem>>, vector<16xf32>,
        %parallel_loop3A_731 = arith.constant 0 : i32
        %parallel_loop3A_732 = vector.broadcast %parallel_loop3A_731 : i32 to vector<16xi32>
        %parallel_loop3A_733 = arith.cmpi slt, %add3A_17, %parallel_loop3A_732 : vector<16xi32>
        %parallel_loop3A_734 = arith.constant 16 : i32
        %parallel_loop3A_735 = vector.broadcast %parallel_loop3A_734 : i32 to vector<16xi32>
        %parallel_loop3A_736 = arith.addi %add3A_17, %parallel_loop3A_735 : vector<16xi32>
        %parallel_loop3A_737 = arith.select %parallel_loop3A_733, %parallel_loop3A_736, %add3A_17 : vector<16xi1>, vector<16xi32>
        %parallel_loop3A_738 = vector.shape_cast %parallel_loop3A_737 : vector<16xi32> to vector<16x1xi32>
        %parallel_loop3A_739 = vector.shape_cast %parallel_loop3A_738 : vector<16x1xi32> to vector<16xi32>
        %parallel_loop3A_740 = tpu.dynamic_gather %parallel_loop3A_724[%parallel_loop3A_739] in [0] : vector<16xf32>, vector<16xi32> -> vector<16xf32>
        scf.yield %parallel_loop3A_350, %parallel_loop3A_376, %parallel_loop3A_402, %parallel_loop3A_428, %parallel_loop3A_454, %parallel_loop3A_480, %parallel_loop3A_506, %parallel_loop3A_532, %parallel_loop3A_558, %parallel_loop3A_584, %parallel_loop3A_610, %parallel_loop3A_636, %parallel_loop3A_662, %parallel_loop3A_688, %parallel_loop3A_714, %parallel_loop3A_740 : vector<16xf32>, vector<16xf32>, vector<16xf32>, vector<16xf32>, vector<16xf32>, vector<16xf32>, vector<16xf32>, vector<16xf32>, vector<16xf32>, vector<16xf32>, vector<16xf32>, vector<16xf32>, vector<16xf32>, vector<16xf32>, vector<16xf32>, vector<16xf32>
      } {sc.loop_unroll_factor = 4 : i64, sc.parallel_access}
      %jit3A_147 = arith.constant 4 : i32
      %div3A_148 = arith.divsi %add3A_69, %jit3A_147 : i32
      %sign3A_149 = arith.constant 0 : i32
      %sign3A_150 = arith.cmpi sgt, %add3A_69, %sign3A_149 : i32
      %sign3A_151 = arith.extui %sign3A_150 : i1 to i32
      %sign3A_152 = arith.constant 0 : i32
      %sign3A_153 = arith.cmpi slt, %add3A_69, %sign3A_152 : i32
      %sign3A_154 = arith.extui %sign3A_153 : i1 to i32
      %sign3A_155 = arith.subi %sign3A_151, %sign3A_154 : i32
      %sign3A_156 = arith.constant 0 : i32
      %sign3A_157 = arith.cmpi sgt, %jit3A_147, %sign3A_156 : i32
      %sign3A_158 = arith.extui %sign3A_157 : i1 to i32
      %sign3A_159 = arith.constant 0 : i32
      %sign3A_160 = arith.cmpi slt, %jit3A_147, %sign3A_159 : i32
      %sign3A_161 = arith.extui %sign3A_160 : i1 to i32
      %sign3A_162 = arith.subi %sign3A_158, %sign3A_161 : i32
      %ne3A_163 = arith.cmpi ne, %sign3A_155, %sign3A_162 : i32
      %rem3A_164 = arith.remsi %add3A_69, %jit3A_147 : i32
      %ne3A_165 = arith.constant 0 : i32
      %ne3A_166 = arith.cmpi ne, %rem3A_164, %ne3A_165 : i32
      %and3A_167 = arith.andi %ne3A_163, %ne3A_166 : i1
      %sub3A_168 = arith.constant 1 : i32
      %sub3A_169 = arith.subi %div3A_148, %sub3A_168 : i32
      %select_n3A_170 = arith.select %and3A_167, %sub3A_169, %div3A_148 : i32
      %rem3A_171 = arith.constant 4 : i32
      %rem3A_172 = arith.remsi %add3A_69, %rem3A_171 : i32
      %mul3A_173 = arith.constant 16 : i32
      %mul3A_174 = arith.muli %add3A, %mul3A_173 : i32
      %add3A_175 = arith.addi %mul3A_174, %select_n3A_170 : i32
      %mul3A_176 = arith.constant 16 : i32
      %mul3A_177 = arith.muli %add3A_175, %mul3A_176 : i32
      %mul3A_178 = arith.constant 1024 : i32
      %mul3A_179 = arith.muli %rem3A_172, %mul3A_178 : i32
      %dma_start3A_180 = tpu.memref_slice %arg3[%mul3A_177, %mul3A_179] : memref<8192x4096xf32, #tpu.memory_space<hbm>> -> memref<16x1024xf32, #tpu.memory_space<hbm>>
      %dma_start3A_181 = tpu.memref_slice %arg3[%mul3A_177, %mul3A_179] : memref<8192x4096xf32, #tpu.memory_space<hbm>> -> memref<16x1024xf32, #tpu.memory_space<hbm>>
      tpu.enqueue_dma source(%arg6 : memref<16x1024xf32, #tpu.memory_space<vmem>>) target(%dma_start3A_181 : memref<16x1024xf32, #tpu.memory_space<hbm>>) target_semaphore(%arg10 : memref<!tpu.dma_semaphore, #tpu.memory_space<semaphore_mem>>)
      %mul3A_182 = arith.constant 2 : i32
      %mul3A_183 = arith.muli %mul3A_182, %scan3A_49 : i32
      %add3A_184 = arith.constant 1 : i32
      %add3A_185 = arith.addi %mul3A_183, %add3A_184 : i32
      %lt3A_186 = arith.constant 31 : i32
      %lt3A_187 = arith.cmpi slt, %scan3A_49, %lt3A_186 : i32
      %convert_element_type3A_188 = arith.extui %lt3A_187 : i1 to i32
      %cond3A_189 = arith.constant 0 : i32
      %cond3A_190 = arith.cmpi ne, %convert_element_type3A_188, %cond3A_189 : i32
      scf.if %cond3A_190 {
        %add3A_308 = arith.constant 1 : i32
        %add3A_309 = arith.addi %add3A_185, %add3A_308 : i32
        %jit3A_310 = arith.constant 4 : i32
        %div3A_311 = arith.divsi %add3A_309, %jit3A_310 : i32
        %sign3A_312 = arith.constant 0 : i32
        %sign3A_313 = arith.cmpi sgt, %add3A_309, %sign3A_312 : i32
        %sign3A_314 = arith.extui %sign3A_313 : i1 to i32
        %sign3A_315 = arith.constant 0 : i32
        %sign3A_316 = arith.cmpi slt, %add3A_309, %sign3A_315 : i32
        %sign3A_317 = arith.extui %sign3A_316 : i1 to i32
        %sign3A_318 = arith.subi %sign3A_314, %sign3A_317 : i32
        %sign3A_319 = arith.constant 0 : i32
        %sign3A_320 = arith.cmpi sgt, %jit3A_310, %sign3A_319 : i32
        %sign3A_321 = arith.extui %sign3A_320 : i1 to i32
        %sign3A_322 = arith.constant 0 : i32
        %sign3A_323 = arith.cmpi slt, %jit3A_310, %sign3A_322 : i32
        %sign3A_324 = arith.extui %sign3A_323 : i1 to i32
        %sign3A_325 = arith.subi %sign3A_321, %sign3A_324 : i32
        %ne3A_326 = arith.cmpi ne, %sign3A_318, %sign3A_325 : i32
        %rem3A_327 = arith.remsi %add3A_309, %jit3A_310 : i32
        %ne3A_328 = arith.constant 0 : i32
        %ne3A_329 = arith.cmpi ne, %rem3A_327, %ne3A_328 : i32
        %and3A_330 = arith.andi %ne3A_326, %ne3A_329 : i1
        %sub3A_331 = arith.constant 1 : i32
        %sub3A_332 = arith.subi %div3A_311, %sub3A_331 : i32
        %select_n3A_333 = arith.select %and3A_330, %sub3A_332, %div3A_311 : i32
        %rem3A_334 = arith.constant 4 : i32
        %rem3A_335 = arith.remsi %add3A_309, %rem3A_334 : i32
        %mul3A_336 = arith.constant 16 : i32
        %mul3A_337 = arith.muli %add3A, %mul3A_336 : i32
        %add3A_338 = arith.addi %mul3A_337, %select_n3A_333 : i32
        %mul3A_339 = arith.constant 16 : i32
        %mul3A_340 = arith.muli %add3A_338, %mul3A_339 : i32
        %mul3A_341 = arith.constant 1024 : i32
        %mul3A_342 = arith.muli %rem3A_335, %mul3A_341 : i32
        %dma_start3A_343 = tpu.memref_slice %arg2[%mul3A_340, %mul3A_342] : memref<8192x4096xf32, #tpu.memory_space<hbm>> -> memref<16x1024xf32, #tpu.memory_space<hbm>>
        %dma_start3A_344 = tpu.memref_slice %arg2[%mul3A_340, %mul3A_342] : memref<8192x4096xf32, #tpu.memory_space<hbm>> -> memref<16x1024xf32, #tpu.memory_space<hbm>>
        tpu.enqueue_dma source(%dma_start3A_344 : memref<16x1024xf32, #tpu.memory_space<hbm>>) target(%arg4 : memref<16x1024xf32, #tpu.memory_space<vmem>>) target_semaphore(%arg8 : memref<!tpu.dma_semaphore, #tpu.memory_space<semaphore_mem>>)
      } else {
      }
      %jit3A_191 = arith.constant 4 : i32
      %div3A_192 = arith.divsi %add3A_185, %jit3A_191 : i32
      %sign3A_193 = arith.constant 0 : i32
      %sign3A_194 = arith.cmpi sgt, %add3A_185, %sign3A_193 : i32
      %sign3A_195 = arith.extui %sign3A_194 : i1 to i32
      %sign3A_196 = arith.constant 0 : i32
      %sign3A_197 = arith.cmpi slt, %add3A_185, %sign3A_196 : i32
      %sign3A_198 = arith.extui %sign3A_197 : i1 to i32
      %sign3A_199 = arith.subi %sign3A_195, %sign3A_198 : i32
      %sign3A_200 = arith.constant 0 : i32
      %sign3A_201 = arith.cmpi sgt, %jit3A_191, %sign3A_200 : i32
      %sign3A_202 = arith.extui %sign3A_201 : i1 to i32
      %sign3A_203 = arith.constant 0 : i32
      %sign3A_204 = arith.cmpi slt, %jit3A_191, %sign3A_203 : i32
      %sign3A_205 = arith.extui %sign3A_204 : i1 to i32
      %sign3A_206 = arith.subi %sign3A_202, %sign3A_205 : i32
      %ne3A_207 = arith.cmpi ne, %sign3A_199, %sign3A_206 : i32
      %rem3A_208 = arith.remsi %add3A_185, %jit3A_191 : i32
      %ne3A_209 = arith.constant 0 : i32
      %ne3A_210 = arith.cmpi ne, %rem3A_208, %ne3A_209 : i32
      %and3A_211 = arith.andi %ne3A_207, %ne3A_210 : i1
      %sub3A_212 = arith.constant 1 : i32
      %sub3A_213 = arith.subi %div3A_192, %sub3A_212 : i32
      %select_n3A_214 = arith.select %and3A_211, %sub3A_213, %div3A_192 : i32
      %rem3A_215 = arith.constant 4 : i32
      %rem3A_216 = arith.remsi %add3A_185, %rem3A_215 : i32
      %mul3A_217 = arith.constant 16 : i32
      %mul3A_218 = arith.muli %add3A, %mul3A_217 : i32
      %add3A_219 = arith.addi %mul3A_218, %select_n3A_214 : i32
      %mul3A_220 = arith.constant 16 : i32
      %mul3A_221 = arith.muli %add3A_219, %mul3A_220 : i32
      %mul3A_222 = arith.constant 1024 : i32
      %mul3A_223 = arith.muli %rem3A_216, %mul3A_222 : i32
      %dma_wait3A_224 = tpu.memref_slice %arg2[%mul3A_221, %mul3A_223] : memref<8192x4096xf32, #tpu.memory_space<hbm>> -> memref<16x1024xf32, #tpu.memory_space<hbm>>
      %dma_wait3A_225 = tpu.memref_slice %arg2[%mul3A_221, %mul3A_223] : memref<8192x4096xf32, #tpu.memory_space<hbm>> -> memref<16x1024xf32, #tpu.memory_space<hbm>>
      tpu.wait_dma2 semaphore(%arg9 : memref<!tpu.dma_semaphore, #tpu.memory_space<semaphore_mem>>) src(%dma_wait3A_225 : memref<16x1024xf32, #tpu.memory_space<hbm>>) dst(%arg5 : memref<16x1024xf32, #tpu.memory_space<vmem>>)
      %ge3A_226 = arith.constant 1 : i32
      %ge3A_227 = arith.cmpi sge, %scan3A_49, %ge3A_226 : i32
      %convert_element_type3A_228 = arith.extui %ge3A_227 : i1 to i32
      %cond3A_229 = arith.constant 0 : i32
      %cond3A_230 = arith.cmpi ne, %convert_element_type3A_228, %cond3A_229 : i32
      scf.if %cond3A_230 {
        %jit3A_308 = arith.constant 4 : i32
        %div3A_309 = arith.divsi %add3A_185, %jit3A_308 : i32
        %sign3A_310 = arith.constant 0 : i32
        %sign3A_311 = arith.cmpi sgt, %add3A_185, %sign3A_310 : i32
        %sign3A_312 = arith.extui %sign3A_311 : i1 to i32
        %sign3A_313 = arith.constant 0 : i32
        %sign3A_314 = arith.cmpi slt, %add3A_185, %sign3A_313 : i32
        %sign3A_315 = arith.extui %sign3A_314 : i1 to i32
        %sign3A_316 = arith.subi %sign3A_312, %sign3A_315 : i32
        %sign3A_317 = arith.constant 0 : i32
        %sign3A_318 = arith.cmpi sgt, %jit3A_308, %sign3A_317 : i32
        %sign3A_319 = arith.extui %sign3A_318 : i1 to i32
        %sign3A_320 = arith.constant 0 : i32
        %sign3A_321 = arith.cmpi slt, %jit3A_308, %sign3A_320 : i32
        %sign3A_322 = arith.extui %sign3A_321 : i1 to i32
        %sign3A_323 = arith.subi %sign3A_319, %sign3A_322 : i32
        %ne3A_324 = arith.cmpi ne, %sign3A_316, %sign3A_323 : i32
        %rem3A_325 = arith.remsi %add3A_185, %jit3A_308 : i32
        %ne3A_326 = arith.constant 0 : i32
        %ne3A_327 = arith.cmpi ne, %rem3A_325, %ne3A_326 : i32
        %and3A_328 = arith.andi %ne3A_324, %ne3A_327 : i1
        %sub3A_329 = arith.constant 1 : i32
        %sub3A_330 = arith.subi %div3A_309, %sub3A_329 : i32
        %select_n3A_331 = arith.select %and3A_328, %sub3A_330, %div3A_309 : i32
        %rem3A_332 = arith.constant 4 : i32
        %rem3A_333 = arith.remsi %add3A_185, %rem3A_332 : i32
        %mul3A_334 = arith.constant 16 : i32
        %mul3A_335 = arith.muli %add3A, %mul3A_334 : i32
        %add3A_336 = arith.addi %mul3A_335, %select_n3A_331 : i32
        %mul3A_337 = arith.constant 16 : i32
        %mul3A_338 = arith.muli %add3A_336, %mul3A_337 : i32
        %mul3A_339 = arith.constant 1024 : i32
        %mul3A_340 = arith.muli %rem3A_333, %mul3A_339 : i32
        %dma_wait3A_341 = tpu.memref_slice %arg3[%mul3A_338, %mul3A_340] : memref<8192x4096xf32, #tpu.memory_space<hbm>> -> memref<16x1024xf32, #tpu.memory_space<hbm>>
        %dma_wait3A_342 = tpu.memref_slice %arg3[%mul3A_338, %mul3A_340] : memref<8192x4096xf32, #tpu.memory_space<hbm>> -> memref<16x1024xf32, #tpu.memory_space<hbm>>
        tpu.wait_dma2 semaphore(%arg11 : memref<!tpu.dma_semaphore, #tpu.memory_space<semaphore_mem>>) src(%arg7 : memref<16x1024xf32, #tpu.memory_space<vmem>>) dst(%dma_wait3A_342 : memref<16x1024xf32, #tpu.memory_space<hbm>>)
      } else {
      }
      %rem3A_231 = arith.constant 4 : i32
      %rem3A_232 = arith.remsi %add3A_185, %rem3A_231 : i32
      %ne3A_233 = arith.constant 0 : i32
      %ne3A_234 = arith.cmpi ne, %rem3A_232, %ne3A_233 : i32
      %convert_element_type3A_235 = arith.extui %ne3A_234 : i1 to i32
      %convert_element_type3A_236 = arith.sitofp %convert_element_type3A_235 : i32 to f32
      %mul3A_237 = vector.broadcast %convert_element_type3A_236 : f32 to vector<16xf32>
      %mul3A_238 = arith.mulf %parallel_loop3A_146#0, %mul3A_237 : vector<16xf32>
      %mul3A_239 = vector.broadcast %convert_element_type3A_236 : f32 to vector<16xf32>
      %mul3A_240 = arith.mulf %parallel_loop3A_146#1, %mul3A_239 : vector<16xf32>
      %mul3A_241 = vector.broadcast %convert_element_type3A_236 : f32 to vector<16xf32>
      %mul3A_242 = arith.mulf %parallel_loop3A_146#2, %mul3A_241 : vector<16xf32>
      %mul3A_243 = vector.broadcast %convert_element_type3A_236 : f32 to vector<16xf32>
      %mul3A_244 = arith.mulf %parallel_loop3A_146#3, %mul3A_243 : vector<16xf32>
      %mul3A_245 = vector.broadcast %convert_element_type3A_236 : f32 to vector<16xf32>
      %mul3A_246 = arith.mulf %parallel_loop3A_146#4, %mul3A_245 : vector<16xf32>
      %mul3A_247 = vector.broadcast %convert_element_type3A_236 : f32 to vector<16xf32>
      %mul3A_248 = arith.mulf %parallel_loop3A_146#5, %mul3A_247 : vector<16xf32>
      %mul3A_249 = vector.broadcast %convert_element_type3A_236 : f32 to vector<16xf32>
      %mul3A_250 = arith.mulf %parallel_loop3A_146#6, %mul3A_249 : vector<16xf32>
      %mul3A_251 = vector.broadcast %convert_element_type3A_236 : f32 to vector<16xf32>
      %mul3A_252 = arith.mulf %parallel_loop3A_146#7, %mul3A_251 : vector<16xf32>
      %mul3A_253 = vector.broadcast %convert_element_type3A_236 : f32 to vector<16xf32>
      %mul3A_254 = arith.mulf %parallel_loop3A_146#8, %mul3A_253 : vector<16xf32>
      %mul3A_255 = vector.broadcast %convert_element_type3A_236 : f32 to vector<16xf32>
      %mul3A_256 = arith.mulf %parallel_loop3A_146#9, %mul3A_255 : vector<16xf32>
      %mul3A_257 = vector.broadcast %convert_element_type3A_236 : f32 to vector<16xf32>
      %mul3A_258 = arith.mulf %parallel_loop3A_146#10, %mul3A_257 : vector<16xf32>
      %mul3A_259 = vector.broadcast %convert_element_type3A_236 : f32 to vector<16xf32>
      %mul3A_260 = arith.mulf %parallel_loop3A_146#11, %mul3A_259 : vector<16xf32>
      %mul3A_261 = vector.broadcast %convert_element_type3A_236 : f32 to vector<16xf32>
      %mul3A_262 = arith.mulf %parallel_loop3A_146#12, %mul3A_261 : vector<16xf32>
      %mul3A_263 = vector.broadcast %convert_element_type3A_236 : f32 to vector<16xf32>
      %mul3A_264 = arith.mulf %parallel_loop3A_146#13, %mul3A_263 : vector<16xf32>
      %mul3A_265 = vector.broadcast %convert_element_type3A_236 : f32 to vector<16xf32>
      %mul3A_266 = arith.mulf %parallel_loop3A_146#14, %mul3A_265 : vector<16xf32>
      %mul3A_267 = vector.broadcast %convert_element_type3A_236 : f32 to vector<16xf32>
      %mul3A_268 = arith.mulf %parallel_loop3A_146#15, %mul3A_267 : vector<16xf32>
      %parallel_loop3A_269 = arith.constant 0 : i32
      %parallel_loop3A_270 = arith.constant 64 : i32
      %parallel_loop3A_271 = arith.constant 1 : i32
      %parallel_loop3A_272:16 = scf.for %parallel_loop3A_308 = %parallel_loop3A_269 to %parallel_loop3A_270 step %parallel_loop3A_271 iter_args(%parallel_loop3A_309 = %mul3A_238, %parallel_loop3A_310 = %mul3A_240, %parallel_loop3A_311 = %mul3A_242, %parallel_loop3A_312 = %mul3A_244, %parallel_loop3A_313 = %mul3A_246, %parallel_loop3A_314 = %mul3A_248, %parallel_loop3A_315 = %mul3A_250, %parallel_loop3A_316 = %mul3A_252, %parallel_loop3A_317 = %mul3A_254, %parallel_loop3A_318 = %mul3A_256, %parallel_loop3A_319 = %mul3A_258, %parallel_loop3A_320 = %mul3A_260, %parallel_loop3A_321 = %mul3A_262, %parallel_loop3A_322 = %mul3A_264, %parallel_loop3A_323 = %mul3A_266, %parallel_loop3A_324 = %mul3A_268) -> (vector<16xf32>, vector<16xf32>, vector<16xf32>, vector<16xf32>, vector<16xf32>, vector<16xf32>, vector<16xf32>, vector<16xf32>, vector<16xf32>, vector<16xf32>, vector<16xf32>, vector<16xf32>, vector<16xf32>, vector<16xf32>, vector<16xf32>, vector<16xf32>)  : i32 {
        %parallel_loop3A_325 = arith.constant 16 : i32
        %parallel_loop3A_326 = arith.muli %parallel_loop3A_308, %parallel_loop3A_325 : i32
        %parallel_loop3A_327 = arith.constant 0 : i32
        %parallel_loop3A_328 = arith.index_cast %parallel_loop3A_327 : i32 to index
        %parallel_loop3A_329 = arith.index_cast %parallel_loop3A_326 : i32 to index
        %parallel_loop3A_330 = tpu.vector_load %arg5[%parallel_loop3A_328, %parallel_loop3A_329] {strides = array<i32>} : memref<16x1024xf32, #tpu.memory_space<vmem>>, vector<16xf32>,
        %parallel_loop3A_331 = arith.constant true
        %parallel_loop3A_332 = vector.broadcast %parallel_loop3A_331 : i1 to vector<16xi1>
        %parallel_loop3A_333 = tpu.scan <sum>, %parallel_loop3A_330 masked %parallel_loop3A_332 : vector<16xf32>, vector<16xi1> -> vector<16xf32>
        %parallel_loop3A_334 = arith.addf %parallel_loop3A_333, %parallel_loop3A_309 : vector<16xf32>
        %parallel_loop3A_335 = arith.constant 16 : i32
        %parallel_loop3A_336 = arith.muli %parallel_loop3A_308, %parallel_loop3A_335 : i32
        %parallel_loop3A_337 = arith.constant 0 : i32
        %parallel_loop3A_338 = arith.index_cast %parallel_loop3A_337 : i32 to index
        %parallel_loop3A_339 = arith.index_cast %parallel_loop3A_336 : i32 to index
        %parallel_loop3A_340 = tpu.vector_load %arg7[%parallel_loop3A_338, %parallel_loop3A_339] {strides = array<i32>} : memref<16x1024xf32, #tpu.memory_space<vmem>>, vector<16xf32>,
        tpu.vector_store %arg7[%parallel_loop3A_338, %parallel_loop3A_339], %parallel_loop3A_334 {strides = array<i32>} : memref<16x1024xf32, #tpu.memory_space<vmem>>, vector<16xf32>,
        %parallel_loop3A_341 = arith.constant 0 : i32
        %parallel_loop3A_342 = vector.broadcast %parallel_loop3A_341 : i32 to vector<16xi32>
        %parallel_loop3A_343 = arith.cmpi slt, %add3A_17, %parallel_loop3A_342 : vector<16xi32>
        %parallel_loop3A_344 = arith.constant 16 : i32
        %parallel_loop3A_345 = vector.broadcast %parallel_loop3A_344 : i32 to vector<16xi32>
        %parallel_loop3A_346 = arith.addi %add3A_17, %parallel_loop3A_345 : vector<16xi32>
        %parallel_loop3A_347 = arith.select %parallel_loop3A_343, %parallel_loop3A_346, %add3A_17 : vector<16xi1>, vector<16xi32>
        %parallel_loop3A_348 = vector.shape_cast %parallel_loop3A_347 : vector<16xi32> to vector<16x1xi32>
        %parallel_loop3A_349 = vector.shape_cast %parallel_loop3A_348 : vector<16x1xi32> to vector<16xi32>
        %parallel_loop3A_350 = tpu.dynamic_gather %parallel_loop3A_334[%parallel_loop3A_349] in [0] : vector<16xf32>, vector<16xi32> -> vector<16xf32>
        %parallel_loop3A_351 = arith.constant 16 : i32
        %parallel_loop3A_352 = arith.muli %parallel_loop3A_308, %parallel_loop3A_351 : i32
        %parallel_loop3A_353 = arith.constant 1 : i32
        %parallel_loop3A_354 = arith.index_cast %parallel_loop3A_353 : i32 to index
        %parallel_loop3A_355 = arith.index_cast %parallel_loop3A_352 : i32 to index
        %parallel_loop3A_356 = tpu.vector_load %arg5[%parallel_loop3A_354, %parallel_loop3A_355] {strides = array<i32>} : memref<16x1024xf32, #tpu.memory_space<vmem>>, vector<16xf32>,
        %parallel_loop3A_357 = arith.constant true
        %parallel_loop3A_358 = vector.broadcast %parallel_loop3A_357 : i1 to vector<16xi1>
        %parallel_loop3A_359 = tpu.scan <sum>, %parallel_loop3A_356 masked %parallel_loop3A_358 : vector<16xf32>, vector<16xi1> -> vector<16xf32>
        %parallel_loop3A_360 = arith.addf %parallel_loop3A_359, %parallel_loop3A_310 : vector<16xf32>
        %parallel_loop3A_361 = arith.constant 16 : i32
        %parallel_loop3A_362 = arith.muli %parallel_loop3A_308, %parallel_loop3A_361 : i32
        %parallel_loop3A_363 = arith.constant 1 : i32
        %parallel_loop3A_364 = arith.index_cast %parallel_loop3A_363 : i32 to index
        %parallel_loop3A_365 = arith.index_cast %parallel_loop3A_362 : i32 to index
        %parallel_loop3A_366 = tpu.vector_load %arg7[%parallel_loop3A_364, %parallel_loop3A_365] {strides = array<i32>} : memref<16x1024xf32, #tpu.memory_space<vmem>>, vector<16xf32>,
        tpu.vector_store %arg7[%parallel_loop3A_364, %parallel_loop3A_365], %parallel_loop3A_360 {strides = array<i32>} : memref<16x1024xf32, #tpu.memory_space<vmem>>, vector<16xf32>,
        %parallel_loop3A_367 = arith.constant 0 : i32
        %parallel_loop3A_368 = vector.broadcast %parallel_loop3A_367 : i32 to vector<16xi32>
        %parallel_loop3A_369 = arith.cmpi slt, %add3A_17, %parallel_loop3A_368 : vector<16xi32>
        %parallel_loop3A_370 = arith.constant 16 : i32
        %parallel_loop3A_371 = vector.broadcast %parallel_loop3A_370 : i32 to vector<16xi32>
        %parallel_loop3A_372 = arith.addi %add3A_17, %parallel_loop3A_371 : vector<16xi32>
        %parallel_loop3A_373 = arith.select %parallel_loop3A_369, %parallel_loop3A_372, %add3A_17 : vector<16xi1>, vector<16xi32>
        %parallel_loop3A_374 = vector.shape_cast %parallel_loop3A_373 : vector<16xi32> to vector<16x1xi32>
        %parallel_loop3A_375 = vector.shape_cast %parallel_loop3A_374 : vector<16x1xi32> to vector<16xi32>
        %parallel_loop3A_376 = tpu.dynamic_gather %parallel_loop3A_360[%parallel_loop3A_375] in [0] : vector<16xf32>, vector<16xi32> -> vector<16xf32>
        %parallel_loop3A_377 = arith.constant 16 : i32
        %parallel_loop3A_378 = arith.muli %parallel_loop3A_308, %parallel_loop3A_377 : i32
        %parallel_loop3A_379 = arith.constant 2 : i32
        %parallel_loop3A_380 = arith.index_cast %parallel_loop3A_379 : i32 to index
        %parallel_loop3A_381 = arith.index_cast %parallel_loop3A_378 : i32 to index
        %parallel_loop3A_382 = tpu.vector_load %arg5[%parallel_loop3A_380, %parallel_loop3A_381] {strides = array<i32>} : memref<16x1024xf32, #tpu.memory_space<vmem>>, vector<16xf32>,
        %parallel_loop3A_383 = arith.constant true
        %parallel_loop3A_384 = vector.broadcast %parallel_loop3A_383 : i1 to vector<16xi1>
        %parallel_loop3A_385 = tpu.scan <sum>, %parallel_loop3A_382 masked %parallel_loop3A_384 : vector<16xf32>, vector<16xi1> -> vector<16xf32>
        %parallel_loop3A_386 = arith.addf %parallel_loop3A_385, %parallel_loop3A_311 : vector<16xf32>
        %parallel_loop3A_387 = arith.constant 16 : i32
        %parallel_loop3A_388 = arith.muli %parallel_loop3A_308, %parallel_loop3A_387 : i32
        %parallel_loop3A_389 = arith.constant 2 : i32
        %parallel_loop3A_390 = arith.index_cast %parallel_loop3A_389 : i32 to index
        %parallel_loop3A_391 = arith.index_cast %parallel_loop3A_388 : i32 to index
        %parallel_loop3A_392 = tpu.vector_load %arg7[%parallel_loop3A_390, %parallel_loop3A_391] {strides = array<i32>} : memref<16x1024xf32, #tpu.memory_space<vmem>>, vector<16xf32>,
        tpu.vector_store %arg7[%parallel_loop3A_390, %parallel_loop3A_391], %parallel_loop3A_386 {strides = array<i32>} : memref<16x1024xf32, #tpu.memory_space<vmem>>, vector<16xf32>,
        %parallel_loop3A_393 = arith.constant 0 : i32
        %parallel_loop3A_394 = vector.broadcast %parallel_loop3A_393 : i32 to vector<16xi32>
        %parallel_loop3A_395 = arith.cmpi slt, %add3A_17, %parallel_loop3A_394 : vector<16xi32>
        %parallel_loop3A_396 = arith.constant 16 : i32
        %parallel_loop3A_397 = vector.broadcast %parallel_loop3A_396 : i32 to vector<16xi32>
        %parallel_loop3A_398 = arith.addi %add3A_17, %parallel_loop3A_397 : vector<16xi32>
        %parallel_loop3A_399 = arith.select %parallel_loop3A_395, %parallel_loop3A_398, %add3A_17 : vector<16xi1>, vector<16xi32>
        %parallel_loop3A_400 = vector.shape_cast %parallel_loop3A_399 : vector<16xi32> to vector<16x1xi32>
        %parallel_loop3A_401 = vector.shape_cast %parallel_loop3A_400 : vector<16x1xi32> to vector<16xi32>
        %parallel_loop3A_402 = tpu.dynamic_gather %parallel_loop3A_386[%parallel_loop3A_401] in [0] : vector<16xf32>, vector<16xi32> -> vector<16xf32>
        %parallel_loop3A_403 = arith.constant 16 : i32
        %parallel_loop3A_404 = arith.muli %parallel_loop3A_308, %parallel_loop3A_403 : i32
        %parallel_loop3A_405 = arith.constant 3 : i32
        %parallel_loop3A_406 = arith.index_cast %parallel_loop3A_405 : i32 to index
        %parallel_loop3A_407 = arith.index_cast %parallel_loop3A_404 : i32 to index
        %parallel_loop3A_408 = tpu.vector_load %arg5[%parallel_loop3A_406, %parallel_loop3A_407] {strides = array<i32>} : memref<16x1024xf32, #tpu.memory_space<vmem>>, vector<16xf32>,
        %parallel_loop3A_409 = arith.constant true
        %parallel_loop3A_410 = vector.broadcast %parallel_loop3A_409 : i1 to vector<16xi1>
        %parallel_loop3A_411 = tpu.scan <sum>, %parallel_loop3A_408 masked %parallel_loop3A_410 : vector<16xf32>, vector<16xi1> -> vector<16xf32>
        %parallel_loop3A_412 = arith.addf %parallel_loop3A_411, %parallel_loop3A_312 : vector<16xf32>
        %parallel_loop3A_413 = arith.constant 16 : i32
        %parallel_loop3A_414 = arith.muli %parallel_loop3A_308, %parallel_loop3A_413 : i32
        %parallel_loop3A_415 = arith.constant 3 : i32
        %parallel_loop3A_416 = arith.index_cast %parallel_loop3A_415 : i32 to index
        %parallel_loop3A_417 = arith.index_cast %parallel_loop3A_414 : i32 to index
        %parallel_loop3A_418 = tpu.vector_load %arg7[%parallel_loop3A_416, %parallel_loop3A_417] {strides = array<i32>} : memref<16x1024xf32, #tpu.memory_space<vmem>>, vector<16xf32>,
        tpu.vector_store %arg7[%parallel_loop3A_416, %parallel_loop3A_417], %parallel_loop3A_412 {strides = array<i32>} : memref<16x1024xf32, #tpu.memory_space<vmem>>, vector<16xf32>,
        %parallel_loop3A_419 = arith.constant 0 : i32
        %parallel_loop3A_420 = vector.broadcast %parallel_loop3A_419 : i32 to vector<16xi32>
        %parallel_loop3A_421 = arith.cmpi slt, %add3A_17, %parallel_loop3A_420 : vector<16xi32>
        %parallel_loop3A_422 = arith.constant 16 : i32
        %parallel_loop3A_423 = vector.broadcast %parallel_loop3A_422 : i32 to vector<16xi32>
        %parallel_loop3A_424 = arith.addi %add3A_17, %parallel_loop3A_423 : vector<16xi32>
        %parallel_loop3A_425 = arith.select %parallel_loop3A_421, %parallel_loop3A_424, %add3A_17 : vector<16xi1>, vector<16xi32>
        %parallel_loop3A_426 = vector.shape_cast %parallel_loop3A_425 : vector<16xi32> to vector<16x1xi32>
        %parallel_loop3A_427 = vector.shape_cast %parallel_loop3A_426 : vector<16x1xi32> to vector<16xi32>
        %parallel_loop3A_428 = tpu.dynamic_gather %parallel_loop3A_412[%parallel_loop3A_427] in [0] : vector<16xf32>, vector<16xi32> -> vector<16xf32>
        %parallel_loop3A_429 = arith.constant 16 : i32
        %parallel_loop3A_430 = arith.muli %parallel_loop3A_308, %parallel_loop3A_429 : i32
        %parallel_loop3A_431 = arith.constant 4 : i32
        %parallel_loop3A_432 = arith.index_cast %parallel_loop3A_431 : i32 to index
        %parallel_loop3A_433 = arith.index_cast %parallel_loop3A_430 : i32 to index
        %parallel_loop3A_434 = tpu.vector_load %arg5[%parallel_loop3A_432, %parallel_loop3A_433] {strides = array<i32>} : memref<16x1024xf32, #tpu.memory_space<vmem>>, vector<16xf32>,
        %parallel_loop3A_435 = arith.constant true
        %parallel_loop3A_436 = vector.broadcast %parallel_loop3A_435 : i1 to vector<16xi1>
        %parallel_loop3A_437 = tpu.scan <sum>, %parallel_loop3A_434 masked %parallel_loop3A_436 : vector<16xf32>, vector<16xi1> -> vector<16xf32>
        %parallel_loop3A_438 = arith.addf %parallel_loop3A_437, %parallel_loop3A_313 : vector<16xf32>
        %parallel_loop3A_439 = arith.constant 16 : i32
        %parallel_loop3A_440 = arith.muli %parallel_loop3A_308, %parallel_loop3A_439 : i32
        %parallel_loop3A_441 = arith.constant 4 : i32
        %parallel_loop3A_442 = arith.index_cast %parallel_loop3A_441 : i32 to index
        %parallel_loop3A_443 = arith.index_cast %parallel_loop3A_440 : i32 to index
        %parallel_loop3A_444 = tpu.vector_load %arg7[%parallel_loop3A_442, %parallel_loop3A_443] {strides = array<i32>} : memref<16x1024xf32, #tpu.memory_space<vmem>>, vector<16xf32>,
        tpu.vector_store %arg7[%parallel_loop3A_442, %parallel_loop3A_443], %parallel_loop3A_438 {strides = array<i32>} : memref<16x1024xf32, #tpu.memory_space<vmem>>, vector<16xf32>,
        %parallel_loop3A_445 = arith.constant 0 : i32
        %parallel_loop3A_446 = vector.broadcast %parallel_loop3A_445 : i32 to vector<16xi32>
        %parallel_loop3A_447 = arith.cmpi slt, %add3A_17, %parallel_loop3A_446 : vector<16xi32>
        %parallel_loop3A_448 = arith.constant 16 : i32
        %parallel_loop3A_449 = vector.broadcast %parallel_loop3A_448 : i32 to vector<16xi32>
        %parallel_loop3A_450 = arith.addi %add3A_17, %parallel_loop3A_449 : vector<16xi32>
        %parallel_loop3A_451 = arith.select %parallel_loop3A_447, %parallel_loop3A_450, %add3A_17 : vector<16xi1>, vector<16xi32>
        %parallel_loop3A_452 = vector.shape_cast %parallel_loop3A_451 : vector<16xi32> to vector<16x1xi32>
        %parallel_loop3A_453 = vector.shape_cast %parallel_loop3A_452 : vector<16x1xi32> to vector<16xi32>
        %parallel_loop3A_454 = tpu.dynamic_gather %parallel_loop3A_438[%parallel_loop3A_453] in [0] : vector<16xf32>, vector<16xi32> -> vector<16xf32>
        %parallel_loop3A_455 = arith.constant 16 : i32
        %parallel_loop3A_456 = arith.muli %parallel_loop3A_308, %parallel_loop3A_455 : i32
        %parallel_loop3A_457 = arith.constant 5 : i32
        %parallel_loop3A_458 = arith.index_cast %parallel_loop3A_457 : i32 to index
        %parallel_loop3A_459 = arith.index_cast %parallel_loop3A_456 : i32 to index
        %parallel_loop3A_460 = tpu.vector_load %arg5[%parallel_loop3A_458, %parallel_loop3A_459] {strides = array<i32>} : memref<16x1024xf32, #tpu.memory_space<vmem>>, vector<16xf32>,
        %parallel_loop3A_461 = arith.constant true
        %parallel_loop3A_462 = vector.broadcast %parallel_loop3A_461 : i1 to vector<16xi1>
        %parallel_loop3A_463 = tpu.scan <sum>, %parallel_loop3A_460 masked %parallel_loop3A_462 : vector<16xf32>, vector<16xi1> -> vector<16xf32>
        %parallel_loop3A_464 = arith.addf %parallel_loop3A_463, %parallel_loop3A_314 : vector<16xf32>
        %parallel_loop3A_465 = arith.constant 16 : i32
        %parallel_loop3A_466 = arith.muli %parallel_loop3A_308, %parallel_loop3A_465 : i32
        %parallel_loop3A_467 = arith.constant 5 : i32
        %parallel_loop3A_468 = arith.index_cast %parallel_loop3A_467 : i32 to index
        %parallel_loop3A_469 = arith.index_cast %parallel_loop3A_466 : i32 to index
        %parallel_loop3A_470 = tpu.vector_load %arg7[%parallel_loop3A_468, %parallel_loop3A_469] {strides = array<i32>} : memref<16x1024xf32, #tpu.memory_space<vmem>>, vector<16xf32>,
        tpu.vector_store %arg7[%parallel_loop3A_468, %parallel_loop3A_469], %parallel_loop3A_464 {strides = array<i32>} : memref<16x1024xf32, #tpu.memory_space<vmem>>, vector<16xf32>,
        %parallel_loop3A_471 = arith.constant 0 : i32
        %parallel_loop3A_472 = vector.broadcast %parallel_loop3A_471 : i32 to vector<16xi32>
        %parallel_loop3A_473 = arith.cmpi slt, %add3A_17, %parallel_loop3A_472 : vector<16xi32>
        %parallel_loop3A_474 = arith.constant 16 : i32
        %parallel_loop3A_475 = vector.broadcast %parallel_loop3A_474 : i32 to vector<16xi32>
        %parallel_loop3A_476 = arith.addi %add3A_17, %parallel_loop3A_475 : vector<16xi32>
        %parallel_loop3A_477 = arith.select %parallel_loop3A_473, %parallel_loop3A_476, %add3A_17 : vector<16xi1>, vector<16xi32>
        %parallel_loop3A_478 = vector.shape_cast %parallel_loop3A_477 : vector<16xi32> to vector<16x1xi32>
        %parallel_loop3A_479 = vector.shape_cast %parallel_loop3A_478 : vector<16x1xi32> to vector<16xi32>
        %parallel_loop3A_480 = tpu.dynamic_gather %parallel_loop3A_464[%parallel_loop3A_479] in [0] : vector<16xf32>, vector<16xi32> -> vector<16xf32>
        %parallel_loop3A_481 = arith.constant 16 : i32
        %parallel_loop3A_482 = arith.muli %parallel_loop3A_308, %parallel_loop3A_481 : i32
        %parallel_loop3A_483 = arith.constant 6 : i32
        %parallel_loop3A_484 = arith.index_cast %parallel_loop3A_483 : i32 to index
        %parallel_loop3A_485 = arith.index_cast %parallel_loop3A_482 : i32 to index
        %parallel_loop3A_486 = tpu.vector_load %arg5[%parallel_loop3A_484, %parallel_loop3A_485] {strides = array<i32>} : memref<16x1024xf32, #tpu.memory_space<vmem>>, vector<16xf32>,
        %parallel_loop3A_487 = arith.constant true
        %parallel_loop3A_488 = vector.broadcast %parallel_loop3A_487 : i1 to vector<16xi1>
        %parallel_loop3A_489 = tpu.scan <sum>, %parallel_loop3A_486 masked %parallel_loop3A_488 : vector<16xf32>, vector<16xi1> -> vector<16xf32>
        %parallel_loop3A_490 = arith.addf %parallel_loop3A_489, %parallel_loop3A_315 : vector<16xf32>
        %parallel_loop3A_491 = arith.constant 16 : i32
        %parallel_loop3A_492 = arith.muli %parallel_loop3A_308, %parallel_loop3A_491 : i32
        %parallel_loop3A_493 = arith.constant 6 : i32
        %parallel_loop3A_494 = arith.index_cast %parallel_loop3A_493 : i32 to index
        %parallel_loop3A_495 = arith.index_cast %parallel_loop3A_492 : i32 to index
        %parallel_loop3A_496 = tpu.vector_load %arg7[%parallel_loop3A_494, %parallel_loop3A_495] {strides = array<i32>} : memref<16x1024xf32, #tpu.memory_space<vmem>>, vector<16xf32>,
        tpu.vector_store %arg7[%parallel_loop3A_494, %parallel_loop3A_495], %parallel_loop3A_490 {strides = array<i32>} : memref<16x1024xf32, #tpu.memory_space<vmem>>, vector<16xf32>,
        %parallel_loop3A_497 = arith.constant 0 : i32
        %parallel_loop3A_498 = vector.broadcast %parallel_loop3A_497 : i32 to vector<16xi32>
        %parallel_loop3A_499 = arith.cmpi slt, %add3A_17, %parallel_loop3A_498 : vector<16xi32>
        %parallel_loop3A_500 = arith.constant 16 : i32
        %parallel_loop3A_501 = vector.broadcast %parallel_loop3A_500 : i32 to vector<16xi32>
        %parallel_loop3A_502 = arith.addi %add3A_17, %parallel_loop3A_501 : vector<16xi32>
        %parallel_loop3A_503 = arith.select %parallel_loop3A_499, %parallel_loop3A_502, %add3A_17 : vector<16xi1>, vector<16xi32>
        %parallel_loop3A_504 = vector.shape_cast %parallel_loop3A_503 : vector<16xi32> to vector<16x1xi32>
        %parallel_loop3A_505 = vector.shape_cast %parallel_loop3A_504 : vector<16x1xi32> to vector<16xi32>
        %parallel_loop3A_506 = tpu.dynamic_gather %parallel_loop3A_490[%parallel_loop3A_505] in [0] : vector<16xf32>, vector<16xi32> -> vector<16xf32>
        %parallel_loop3A_507 = arith.constant 16 : i32
        %parallel_loop3A_508 = arith.muli %parallel_loop3A_308, %parallel_loop3A_507 : i32
        %parallel_loop3A_509 = arith.constant 7 : i32
        %parallel_loop3A_510 = arith.index_cast %parallel_loop3A_509 : i32 to index
        %parallel_loop3A_511 = arith.index_cast %parallel_loop3A_508 : i32 to index
        %parallel_loop3A_512 = tpu.vector_load %arg5[%parallel_loop3A_510, %parallel_loop3A_511] {strides = array<i32>} : memref<16x1024xf32, #tpu.memory_space<vmem>>, vector<16xf32>,
        %parallel_loop3A_513 = arith.constant true
        %parallel_loop3A_514 = vector.broadcast %parallel_loop3A_513 : i1 to vector<16xi1>
        %parallel_loop3A_515 = tpu.scan <sum>, %parallel_loop3A_512 masked %parallel_loop3A_514 : vector<16xf32>, vector<16xi1> -> vector<16xf32>
        %parallel_loop3A_516 = arith.addf %parallel_loop3A_515, %parallel_loop3A_316 : vector<16xf32>
        %parallel_loop3A_517 = arith.constant 16 : i32
        %parallel_loop3A_518 = arith.muli %parallel_loop3A_308, %parallel_loop3A_517 : i32
        %parallel_loop3A_519 = arith.constant 7 : i32
        %parallel_loop3A_520 = arith.index_cast %parallel_loop3A_519 : i32 to index
        %parallel_loop3A_521 = arith.index_cast %parallel_loop3A_518 : i32 to index
        %parallel_loop3A_522 = tpu.vector_load %arg7[%parallel_loop3A_520, %parallel_loop3A_521] {strides = array<i32>} : memref<16x1024xf32, #tpu.memory_space<vmem>>, vector<16xf32>,
        tpu.vector_store %arg7[%parallel_loop3A_520, %parallel_loop3A_521], %parallel_loop3A_516 {strides = array<i32>} : memref<16x1024xf32, #tpu.memory_space<vmem>>, vector<16xf32>,
        %parallel_loop3A_523 = arith.constant 0 : i32
        %parallel_loop3A_524 = vector.broadcast %parallel_loop3A_523 : i32 to vector<16xi32>
        %parallel_loop3A_525 = arith.cmpi slt, %add3A_17, %parallel_loop3A_524 : vector<16xi32>
        %parallel_loop3A_526 = arith.constant 16 : i32
        %parallel_loop3A_527 = vector.broadcast %parallel_loop3A_526 : i32 to vector<16xi32>
        %parallel_loop3A_528 = arith.addi %add3A_17, %parallel_loop3A_527 : vector<16xi32>
        %parallel_loop3A_529 = arith.select %parallel_loop3A_525, %parallel_loop3A_528, %add3A_17 : vector<16xi1>, vector<16xi32>
        %parallel_loop3A_530 = vector.shape_cast %parallel_loop3A_529 : vector<16xi32> to vector<16x1xi32>
        %parallel_loop3A_531 = vector.shape_cast %parallel_loop3A_530 : vector<16x1xi32> to vector<16xi32>
        %parallel_loop3A_532 = tpu.dynamic_gather %parallel_loop3A_516[%parallel_loop3A_531] in [0] : vector<16xf32>, vector<16xi32> -> vector<16xf32>
        %parallel_loop3A_533 = arith.constant 16 : i32
        %parallel_loop3A_534 = arith.muli %parallel_loop3A_308, %parallel_loop3A_533 : i32
        %parallel_loop3A_535 = arith.constant 8 : i32
        %parallel_loop3A_536 = arith.index_cast %parallel_loop3A_535 : i32 to index
        %parallel_loop3A_537 = arith.index_cast %parallel_loop3A_534 : i32 to index
        %parallel_loop3A_538 = tpu.vector_load %arg5[%parallel_loop3A_536, %parallel_loop3A_537] {strides = array<i32>} : memref<16x1024xf32, #tpu.memory_space<vmem>>, vector<16xf32>,
        %parallel_loop3A_539 = arith.constant true
        %parallel_loop3A_540 = vector.broadcast %parallel_loop3A_539 : i1 to vector<16xi1>
        %parallel_loop3A_541 = tpu.scan <sum>, %parallel_loop3A_538 masked %parallel_loop3A_540 : vector<16xf32>, vector<16xi1> -> vector<16xf32>
        %parallel_loop3A_542 = arith.addf %parallel_loop3A_541, %parallel_loop3A_317 : vector<16xf32>
        %parallel_loop3A_543 = arith.constant 16 : i32
        %parallel_loop3A_544 = arith.muli %parallel_loop3A_308, %parallel_loop3A_543 : i32
        %parallel_loop3A_545 = arith.constant 8 : i32
        %parallel_loop3A_546 = arith.index_cast %parallel_loop3A_545 : i32 to index
        %parallel_loop3A_547 = arith.index_cast %parallel_loop3A_544 : i32 to index
        %parallel_loop3A_548 = tpu.vector_load %arg7[%parallel_loop3A_546, %parallel_loop3A_547] {strides = array<i32>} : memref<16x1024xf32, #tpu.memory_space<vmem>>, vector<16xf32>,
        tpu.vector_store %arg7[%parallel_loop3A_546, %parallel_loop3A_547], %parallel_loop3A_542 {strides = array<i32>} : memref<16x1024xf32, #tpu.memory_space<vmem>>, vector<16xf32>,
        %parallel_loop3A_549 = arith.constant 0 : i32
        %parallel_loop3A_550 = vector.broadcast %parallel_loop3A_549 : i32 to vector<16xi32>
        %parallel_loop3A_551 = arith.cmpi slt, %add3A_17, %parallel_loop3A_550 : vector<16xi32>
        %parallel_loop3A_552 = arith.constant 16 : i32
        %parallel_loop3A_553 = vector.broadcast %parallel_loop3A_552 : i32 to vector<16xi32>
        %parallel_loop3A_554 = arith.addi %add3A_17, %parallel_loop3A_553 : vector<16xi32>
        %parallel_loop3A_555 = arith.select %parallel_loop3A_551, %parallel_loop3A_554, %add3A_17 : vector<16xi1>, vector<16xi32>
        %parallel_loop3A_556 = vector.shape_cast %parallel_loop3A_555 : vector<16xi32> to vector<16x1xi32>
        %parallel_loop3A_557 = vector.shape_cast %parallel_loop3A_556 : vector<16x1xi32> to vector<16xi32>
        %parallel_loop3A_558 = tpu.dynamic_gather %parallel_loop3A_542[%parallel_loop3A_557] in [0] : vector<16xf32>, vector<16xi32> -> vector<16xf32>
        %parallel_loop3A_559 = arith.constant 16 : i32
        %parallel_loop3A_560 = arith.muli %parallel_loop3A_308, %parallel_loop3A_559 : i32
        %parallel_loop3A_561 = arith.constant 9 : i32
        %parallel_loop3A_562 = arith.index_cast %parallel_loop3A_561 : i32 to index
        %parallel_loop3A_563 = arith.index_cast %parallel_loop3A_560 : i32 to index
        %parallel_loop3A_564 = tpu.vector_load %arg5[%parallel_loop3A_562, %parallel_loop3A_563] {strides = array<i32>} : memref<16x1024xf32, #tpu.memory_space<vmem>>, vector<16xf32>,
        %parallel_loop3A_565 = arith.constant true
        %parallel_loop3A_566 = vector.broadcast %parallel_loop3A_565 : i1 to vector<16xi1>
        %parallel_loop3A_567 = tpu.scan <sum>, %parallel_loop3A_564 masked %parallel_loop3A_566 : vector<16xf32>, vector<16xi1> -> vector<16xf32>
        %parallel_loop3A_568 = arith.addf %parallel_loop3A_567, %parallel_loop3A_318 : vector<16xf32>
        %parallel_loop3A_569 = arith.constant 16 : i32
        %parallel_loop3A_570 = arith.muli %parallel_loop3A_308, %parallel_loop3A_569 : i32
        %parallel_loop3A_571 = arith.constant 9 : i32
        %parallel_loop3A_572 = arith.index_cast %parallel_loop3A_571 : i32 to index
        %parallel_loop3A_573 = arith.index_cast %parallel_loop3A_570 : i32 to index
        %parallel_loop3A_574 = tpu.vector_load %arg7[%parallel_loop3A_572, %parallel_loop3A_573] {strides = array<i32>} : memref<16x1024xf32, #tpu.memory_space<vmem>>, vector<16xf32>,
        tpu.vector_store %arg7[%parallel_loop3A_572, %parallel_loop3A_573], %parallel_loop3A_568 {strides = array<i32>} : memref<16x1024xf32, #tpu.memory_space<vmem>>, vector<16xf32>,
        %parallel_loop3A_575 = arith.constant 0 : i32
        %parallel_loop3A_576 = vector.broadcast %parallel_loop3A_575 : i32 to vector<16xi32>
        %parallel_loop3A_577 = arith.cmpi slt, %add3A_17, %parallel_loop3A_576 : vector<16xi32>
        %parallel_loop3A_578 = arith.constant 16 : i32
        %parallel_loop3A_579 = vector.broadcast %parallel_loop3A_578 : i32 to vector<16xi32>
        %parallel_loop3A_580 = arith.addi %add3A_17, %parallel_loop3A_579 : vector<16xi32>
        %parallel_loop3A_581 = arith.select %parallel_loop3A_577, %parallel_loop3A_580, %add3A_17 : vector<16xi1>, vector<16xi32>
        %parallel_loop3A_582 = vector.shape_cast %parallel_loop3A_581 : vector<16xi32> to vector<16x1xi32>
        %parallel_loop3A_583 = vector.shape_cast %parallel_loop3A_582 : vector<16x1xi32> to vector<16xi32>
        %parallel_loop3A_584 = tpu.dynamic_gather %parallel_loop3A_568[%parallel_loop3A_583] in [0] : vector<16xf32>, vector<16xi32> -> vector<16xf32>
        %parallel_loop3A_585 = arith.constant 16 : i32
        %parallel_loop3A_586 = arith.muli %parallel_loop3A_308, %parallel_loop3A_585 : i32
        %parallel_loop3A_587 = arith.constant 10 : i32
        %parallel_loop3A_588 = arith.index_cast %parallel_loop3A_587 : i32 to index
        %parallel_loop3A_589 = arith.index_cast %parallel_loop3A_586 : i32 to index
        %parallel_loop3A_590 = tpu.vector_load %arg5[%parallel_loop3A_588, %parallel_loop3A_589] {strides = array<i32>} : memref<16x1024xf32, #tpu.memory_space<vmem>>, vector<16xf32>,
        %parallel_loop3A_591 = arith.constant true
        %parallel_loop3A_592 = vector.broadcast %parallel_loop3A_591 : i1 to vector<16xi1>
        %parallel_loop3A_593 = tpu.scan <sum>, %parallel_loop3A_590 masked %parallel_loop3A_592 : vector<16xf32>, vector<16xi1> -> vector<16xf32>
        %parallel_loop3A_594 = arith.addf %parallel_loop3A_593, %parallel_loop3A_319 : vector<16xf32>
        %parallel_loop3A_595 = arith.constant 16 : i32
        %parallel_loop3A_596 = arith.muli %parallel_loop3A_308, %parallel_loop3A_595 : i32
        %parallel_loop3A_597 = arith.constant 10 : i32
        %parallel_loop3A_598 = arith.index_cast %parallel_loop3A_597 : i32 to index
        %parallel_loop3A_599 = arith.index_cast %parallel_loop3A_596 : i32 to index
        %parallel_loop3A_600 = tpu.vector_load %arg7[%parallel_loop3A_598, %parallel_loop3A_599] {strides = array<i32>} : memref<16x1024xf32, #tpu.memory_space<vmem>>, vector<16xf32>,
        tpu.vector_store %arg7[%parallel_loop3A_598, %parallel_loop3A_599], %parallel_loop3A_594 {strides = array<i32>} : memref<16x1024xf32, #tpu.memory_space<vmem>>, vector<16xf32>,
        %parallel_loop3A_601 = arith.constant 0 : i32
        %parallel_loop3A_602 = vector.broadcast %parallel_loop3A_601 : i32 to vector<16xi32>
        %parallel_loop3A_603 = arith.cmpi slt, %add3A_17, %parallel_loop3A_602 : vector<16xi32>
        %parallel_loop3A_604 = arith.constant 16 : i32
        %parallel_loop3A_605 = vector.broadcast %parallel_loop3A_604 : i32 to vector<16xi32>
        %parallel_loop3A_606 = arith.addi %add3A_17, %parallel_loop3A_605 : vector<16xi32>
        %parallel_loop3A_607 = arith.select %parallel_loop3A_603, %parallel_loop3A_606, %add3A_17 : vector<16xi1>, vector<16xi32>
        %parallel_loop3A_608 = vector.shape_cast %parallel_loop3A_607 : vector<16xi32> to vector<16x1xi32>
        %parallel_loop3A_609 = vector.shape_cast %parallel_loop3A_608 : vector<16x1xi32> to vector<16xi32>
        %parallel_loop3A_610 = tpu.dynamic_gather %parallel_loop3A_594[%parallel_loop3A_609] in [0] : vector<16xf32>, vector<16xi32> -> vector<16xf32>
        %parallel_loop3A_611 = arith.constant 16 : i32
        %parallel_loop3A_612 = arith.muli %parallel_loop3A_308, %parallel_loop3A_611 : i32
        %parallel_loop3A_613 = arith.constant 11 : i32
        %parallel_loop3A_614 = arith.index_cast %parallel_loop3A_613 : i32 to index
        %parallel_loop3A_615 = arith.index_cast %parallel_loop3A_612 : i32 to index
        %parallel_loop3A_616 = tpu.vector_load %arg5[%parallel_loop3A_614, %parallel_loop3A_615] {strides = array<i32>} : memref<16x1024xf32, #tpu.memory_space<vmem>>, vector<16xf32>,
        %parallel_loop3A_617 = arith.constant true
        %parallel_loop3A_618 = vector.broadcast %parallel_loop3A_617 : i1 to vector<16xi1>
        %parallel_loop3A_619 = tpu.scan <sum>, %parallel_loop3A_616 masked %parallel_loop3A_618 : vector<16xf32>, vector<16xi1> -> vector<16xf32>
        %parallel_loop3A_620 = arith.addf %parallel_loop3A_619, %parallel_loop3A_320 : vector<16xf32>
        %parallel_loop3A_621 = arith.constant 16 : i32
        %parallel_loop3A_622 = arith.muli %parallel_loop3A_308, %parallel_loop3A_621 : i32
        %parallel_loop3A_623 = arith.constant 11 : i32
        %parallel_loop3A_624 = arith.index_cast %parallel_loop3A_623 : i32 to index
        %parallel_loop3A_625 = arith.index_cast %parallel_loop3A_622 : i32 to index
        %parallel_loop3A_626 = tpu.vector_load %arg7[%parallel_loop3A_624, %parallel_loop3A_625] {strides = array<i32>} : memref<16x1024xf32, #tpu.memory_space<vmem>>, vector<16xf32>,
        tpu.vector_store %arg7[%parallel_loop3A_624, %parallel_loop3A_625], %parallel_loop3A_620 {strides = array<i32>} : memref<16x1024xf32, #tpu.memory_space<vmem>>, vector<16xf32>,
        %parallel_loop3A_627 = arith.constant 0 : i32
        %parallel_loop3A_628 = vector.broadcast %parallel_loop3A_627 : i32 to vector<16xi32>
        %parallel_loop3A_629 = arith.cmpi slt, %add3A_17, %parallel_loop3A_628 : vector<16xi32>
        %parallel_loop3A_630 = arith.constant 16 : i32
        %parallel_loop3A_631 = vector.broadcast %parallel_loop3A_630 : i32 to vector<16xi32>
        %parallel_loop3A_632 = arith.addi %add3A_17, %parallel_loop3A_631 : vector<16xi32>
        %parallel_loop3A_633 = arith.select %parallel_loop3A_629, %parallel_loop3A_632, %add3A_17 : vector<16xi1>, vector<16xi32>
        %parallel_loop3A_634 = vector.shape_cast %parallel_loop3A_633 : vector<16xi32> to vector<16x1xi32>
        %parallel_loop3A_635 = vector.shape_cast %parallel_loop3A_634 : vector<16x1xi32> to vector<16xi32>
        %parallel_loop3A_636 = tpu.dynamic_gather %parallel_loop3A_620[%parallel_loop3A_635] in [0] : vector<16xf32>, vector<16xi32> -> vector<16xf32>
        %parallel_loop3A_637 = arith.constant 16 : i32
        %parallel_loop3A_638 = arith.muli %parallel_loop3A_308, %parallel_loop3A_637 : i32
        %parallel_loop3A_639 = arith.constant 12 : i32
        %parallel_loop3A_640 = arith.index_cast %parallel_loop3A_639 : i32 to index
        %parallel_loop3A_641 = arith.index_cast %parallel_loop3A_638 : i32 to index
        %parallel_loop3A_642 = tpu.vector_load %arg5[%parallel_loop3A_640, %parallel_loop3A_641] {strides = array<i32>} : memref<16x1024xf32, #tpu.memory_space<vmem>>, vector<16xf32>,
        %parallel_loop3A_643 = arith.constant true
        %parallel_loop3A_644 = vector.broadcast %parallel_loop3A_643 : i1 to vector<16xi1>
        %parallel_loop3A_645 = tpu.scan <sum>, %parallel_loop3A_642 masked %parallel_loop3A_644 : vector<16xf32>, vector<16xi1> -> vector<16xf32>
        %parallel_loop3A_646 = arith.addf %parallel_loop3A_645, %parallel_loop3A_321 : vector<16xf32>
        %parallel_loop3A_647 = arith.constant 16 : i32
        %parallel_loop3A_648 = arith.muli %parallel_loop3A_308, %parallel_loop3A_647 : i32
        %parallel_loop3A_649 = arith.constant 12 : i32
        %parallel_loop3A_650 = arith.index_cast %parallel_loop3A_649 : i32 to index
        %parallel_loop3A_651 = arith.index_cast %parallel_loop3A_648 : i32 to index
        %parallel_loop3A_652 = tpu.vector_load %arg7[%parallel_loop3A_650, %parallel_loop3A_651] {strides = array<i32>} : memref<16x1024xf32, #tpu.memory_space<vmem>>, vector<16xf32>,
        tpu.vector_store %arg7[%parallel_loop3A_650, %parallel_loop3A_651], %parallel_loop3A_646 {strides = array<i32>} : memref<16x1024xf32, #tpu.memory_space<vmem>>, vector<16xf32>,
        %parallel_loop3A_653 = arith.constant 0 : i32
        %parallel_loop3A_654 = vector.broadcast %parallel_loop3A_653 : i32 to vector<16xi32>
        %parallel_loop3A_655 = arith.cmpi slt, %add3A_17, %parallel_loop3A_654 : vector<16xi32>
        %parallel_loop3A_656 = arith.constant 16 : i32
        %parallel_loop3A_657 = vector.broadcast %parallel_loop3A_656 : i32 to vector<16xi32>
        %parallel_loop3A_658 = arith.addi %add3A_17, %parallel_loop3A_657 : vector<16xi32>
        %parallel_loop3A_659 = arith.select %parallel_loop3A_655, %parallel_loop3A_658, %add3A_17 : vector<16xi1>, vector<16xi32>
        %parallel_loop3A_660 = vector.shape_cast %parallel_loop3A_659 : vector<16xi32> to vector<16x1xi32>
        %parallel_loop3A_661 = vector.shape_cast %parallel_loop3A_660 : vector<16x1xi32> to vector<16xi32>
        %parallel_loop3A_662 = tpu.dynamic_gather %parallel_loop3A_646[%parallel_loop3A_661] in [0] : vector<16xf32>, vector<16xi32> -> vector<16xf32>
        %parallel_loop3A_663 = arith.constant 16 : i32
        %parallel_loop3A_664 = arith.muli %parallel_loop3A_308, %parallel_loop3A_663 : i32
        %parallel_loop3A_665 = arith.constant 13 : i32
        %parallel_loop3A_666 = arith.index_cast %parallel_loop3A_665 : i32 to index
        %parallel_loop3A_667 = arith.index_cast %parallel_loop3A_664 : i32 to index
        %parallel_loop3A_668 = tpu.vector_load %arg5[%parallel_loop3A_666, %parallel_loop3A_667] {strides = array<i32>} : memref<16x1024xf32, #tpu.memory_space<vmem>>, vector<16xf32>,
        %parallel_loop3A_669 = arith.constant true
        %parallel_loop3A_670 = vector.broadcast %parallel_loop3A_669 : i1 to vector<16xi1>
        %parallel_loop3A_671 = tpu.scan <sum>, %parallel_loop3A_668 masked %parallel_loop3A_670 : vector<16xf32>, vector<16xi1> -> vector<16xf32>
        %parallel_loop3A_672 = arith.addf %parallel_loop3A_671, %parallel_loop3A_322 : vector<16xf32>
        %parallel_loop3A_673 = arith.constant 16 : i32
        %parallel_loop3A_674 = arith.muli %parallel_loop3A_308, %parallel_loop3A_673 : i32
        %parallel_loop3A_675 = arith.constant 13 : i32
        %parallel_loop3A_676 = arith.index_cast %parallel_loop3A_675 : i32 to index
        %parallel_loop3A_677 = arith.index_cast %parallel_loop3A_674 : i32 to index
        %parallel_loop3A_678 = tpu.vector_load %arg7[%parallel_loop3A_676, %parallel_loop3A_677] {strides = array<i32>} : memref<16x1024xf32, #tpu.memory_space<vmem>>, vector<16xf32>,
        tpu.vector_store %arg7[%parallel_loop3A_676, %parallel_loop3A_677], %parallel_loop3A_672 {strides = array<i32>} : memref<16x1024xf32, #tpu.memory_space<vmem>>, vector<16xf32>,
        %parallel_loop3A_679 = arith.constant 0 : i32
        %parallel_loop3A_680 = vector.broadcast %parallel_loop3A_679 : i32 to vector<16xi32>
        %parallel_loop3A_681 = arith.cmpi slt, %add3A_17, %parallel_loop3A_680 : vector<16xi32>
        %parallel_loop3A_682 = arith.constant 16 : i32
        %parallel_loop3A_683 = vector.broadcast %parallel_loop3A_682 : i32 to vector<16xi32>
        %parallel_loop3A_684 = arith.addi %add3A_17, %parallel_loop3A_683 : vector<16xi32>
        %parallel_loop3A_685 = arith.select %parallel_loop3A_681, %parallel_loop3A_684, %add3A_17 : vector<16xi1>, vector<16xi32>
        %parallel_loop3A_686 = vector.shape_cast %parallel_loop3A_685 : vector<16xi32> to vector<16x1xi32>
        %parallel_loop3A_687 = vector.shape_cast %parallel_loop3A_686 : vector<16x1xi32> to vector<16xi32>
        %parallel_loop3A_688 = tpu.dynamic_gather %parallel_loop3A_672[%parallel_loop3A_687] in [0] : vector<16xf32>, vector<16xi32> -> vector<16xf32>
        %parallel_loop3A_689 = arith.constant 16 : i32
        %parallel_loop3A_690 = arith.muli %parallel_loop3A_308, %parallel_loop3A_689 : i32
        %parallel_loop3A_691 = arith.constant 14 : i32
        %parallel_loop3A_692 = arith.index_cast %parallel_loop3A_691 : i32 to index
        %parallel_loop3A_693 = arith.index_cast %parallel_loop3A_690 : i32 to index
        %parallel_loop3A_694 = tpu.vector_load %arg5[%parallel_loop3A_692, %parallel_loop3A_693] {strides = array<i32>} : memref<16x1024xf32, #tpu.memory_space<vmem>>, vector<16xf32>,
        %parallel_loop3A_695 = arith.constant true
        %parallel_loop3A_696 = vector.broadcast %parallel_loop3A_695 : i1 to vector<16xi1>
        %parallel_loop3A_697 = tpu.scan <sum>, %parallel_loop3A_694 masked %parallel_loop3A_696 : vector<16xf32>, vector<16xi1> -> vector<16xf32>
        %parallel_loop3A_698 = arith.addf %parallel_loop3A_697, %parallel_loop3A_323 : vector<16xf32>
        %parallel_loop3A_699 = arith.constant 16 : i32
        %parallel_loop3A_700 = arith.muli %parallel_loop3A_308, %parallel_loop3A_699 : i32
        %parallel_loop3A_701 = arith.constant 14 : i32
        %parallel_loop3A_702 = arith.index_cast %parallel_loop3A_701 : i32 to index
        %parallel_loop3A_703 = arith.index_cast %parallel_loop3A_700 : i32 to index
        %parallel_loop3A_704 = tpu.vector_load %arg7[%parallel_loop3A_702, %parallel_loop3A_703] {strides = array<i32>} : memref<16x1024xf32, #tpu.memory_space<vmem>>, vector<16xf32>,
        tpu.vector_store %arg7[%parallel_loop3A_702, %parallel_loop3A_703], %parallel_loop3A_698 {strides = array<i32>} : memref<16x1024xf32, #tpu.memory_space<vmem>>, vector<16xf32>,
        %parallel_loop3A_705 = arith.constant 0 : i32
        %parallel_loop3A_706 = vector.broadcast %parallel_loop3A_705 : i32 to vector<16xi32>
        %parallel_loop3A_707 = arith.cmpi slt, %add3A_17, %parallel_loop3A_706 : vector<16xi32>
        %parallel_loop3A_708 = arith.constant 16 : i32
        %parallel_loop3A_709 = vector.broadcast %parallel_loop3A_708 : i32 to vector<16xi32>
        %parallel_loop3A_710 = arith.addi %add3A_17, %parallel_loop3A_709 : vector<16xi32>
        %parallel_loop3A_711 = arith.select %parallel_loop3A_707, %parallel_loop3A_710, %add3A_17 : vector<16xi1>, vector<16xi32>
        %parallel_loop3A_712 = vector.shape_cast %parallel_loop3A_711 : vector<16xi32> to vector<16x1xi32>
        %parallel_loop3A_713 = vector.shape_cast %parallel_loop3A_712 : vector<16x1xi32> to vector<16xi32>
        %parallel_loop3A_714 = tpu.dynamic_gather %parallel_loop3A_698[%parallel_loop3A_713] in [0] : vector<16xf32>, vector<16xi32> -> vector<16xf32>
        %parallel_loop3A_715 = arith.constant 16 : i32
        %parallel_loop3A_716 = arith.muli %parallel_loop3A_308, %parallel_loop3A_715 : i32
        %parallel_loop3A_717 = arith.constant 15 : i32
        %parallel_loop3A_718 = arith.index_cast %parallel_loop3A_717 : i32 to index
        %parallel_loop3A_719 = arith.index_cast %parallel_loop3A_716 : i32 to index
        %parallel_loop3A_720 = tpu.vector_load %arg5[%parallel_loop3A_718, %parallel_loop3A_719] {strides = array<i32>} : memref<16x1024xf32, #tpu.memory_space<vmem>>, vector<16xf32>,
        %parallel_loop3A_721 = arith.constant true
        %parallel_loop3A_722 = vector.broadcast %parallel_loop3A_721 : i1 to vector<16xi1>
        %parallel_loop3A_723 = tpu.scan <sum>, %parallel_loop3A_720 masked %parallel_loop3A_722 : vector<16xf32>, vector<16xi1> -> vector<16xf32>
        %parallel_loop3A_724 = arith.addf %parallel_loop3A_723, %parallel_loop3A_324 : vector<16xf32>
        %parallel_loop3A_725 = arith.constant 16 : i32
        %parallel_loop3A_726 = arith.muli %parallel_loop3A_308, %parallel_loop3A_725 : i32
        %parallel_loop3A_727 = arith.constant 15 : i32
        %parallel_loop3A_728 = arith.index_cast %parallel_loop3A_727 : i32 to index
        %parallel_loop3A_729 = arith.index_cast %parallel_loop3A_726 : i32 to index
        %parallel_loop3A_730 = tpu.vector_load %arg7[%parallel_loop3A_728, %parallel_loop3A_729] {strides = array<i32>} : memref<16x1024xf32, #tpu.memory_space<vmem>>, vector<16xf32>,
        tpu.vector_store %arg7[%parallel_loop3A_728, %parallel_loop3A_729], %parallel_loop3A_724 {strides = array<i32>} : memref<16x1024xf32, #tpu.memory_space<vmem>>, vector<16xf32>,
        %parallel_loop3A_731 = arith.constant 0 : i32
        %parallel_loop3A_732 = vector.broadcast %parallel_loop3A_731 : i32 to vector<16xi32>
        %parallel_loop3A_733 = arith.cmpi slt, %add3A_17, %parallel_loop3A_732 : vector<16xi32>
        %parallel_loop3A_734 = arith.constant 16 : i32
        %parallel_loop3A_735 = vector.broadcast %parallel_loop3A_734 : i32 to vector<16xi32>
        %parallel_loop3A_736 = arith.addi %add3A_17, %parallel_loop3A_735 : vector<16xi32>
        %parallel_loop3A_737 = arith.select %parallel_loop3A_733, %parallel_loop3A_736, %add3A_17 : vector<16xi1>, vector<16xi32>
        %parallel_loop3A_738 = vector.shape_cast %parallel_loop3A_737 : vector<16xi32> to vector<16x1xi32>
        %parallel_loop3A_739 = vector.shape_cast %parallel_loop3A_738 : vector<16x1xi32> to vector<16xi32>
        %parallel_loop3A_740 = tpu.dynamic_gather %parallel_loop3A_724[%parallel_loop3A_739] in [0] : vector<16xf32>, vector<16xi32> -> vector<16xf32>
        scf.yield %parallel_loop3A_350, %parallel_loop3A_376, %parallel_loop3A_402, %parallel_loop3A_428, %parallel_loop3A_454, %parallel_loop3A_480, %parallel_loop3A_506, %parallel_loop3A_532, %parallel_loop3A_558, %parallel_loop3A_584, %parallel_loop3A_610, %parallel_loop3A_636, %parallel_loop3A_662, %parallel_loop3A_688, %parallel_loop3A_714, %parallel_loop3A_740 : vector<16xf32>, vector<16xf32>, vector<16xf32>, vector<16xf32>, vector<16xf32>, vector<16xf32>, vector<16xf32>, vector<16xf32>, vector<16xf32>, vector<16xf32>, vector<16xf32>, vector<16xf32>, vector<16xf32>, vector<16xf32>, vector<16xf32>, vector<16xf32>
      } {sc.loop_unroll_factor = 4 : i64, sc.parallel_access}
      %jit3A_273 = arith.constant 4 : i32
      %div3A_274 = arith.divsi %add3A_185, %jit3A_273 : i32
      %sign3A_275 = arith.constant 0 : i32
      %sign3A_276 = arith.cmpi sgt, %add3A_185, %sign3A_275 : i32
      %sign3A_277 = arith.extui %sign3A_276 : i1 to i32
      %sign3A_278 = arith.constant 0 : i32
      %sign3A_279 = arith.cmpi slt, %add3A_185, %sign3A_278 : i32
      %sign3A_280 = arith.extui %sign3A_279 : i1 to i32
      %sign3A_281 = arith.subi %sign3A_277, %sign3A_280 : i32
      %sign3A_282 = arith.constant 0 : i32
      %sign3A_283 = arith.cmpi sgt, %jit3A_273, %sign3A_282 : i32
      %sign3A_284 = arith.extui %sign3A_283 : i1 to i32
      %sign3A_285 = arith.constant 0 : i32
      %sign3A_286 = arith.cmpi slt, %jit3A_273, %sign3A_285 : i32
      %sign3A_287 = arith.extui %sign3A_286 : i1 to i32
      %sign3A_288 = arith.subi %sign3A_284, %sign3A_287 : i32
      %ne3A_289 = arith.cmpi ne, %sign3A_281, %sign3A_288 : i32
      %rem3A_290 = arith.remsi %add3A_185, %jit3A_273 : i32
      %ne3A_291 = arith.constant 0 : i32
      %ne3A_292 = arith.cmpi ne, %rem3A_290, %ne3A_291 : i32
      %and3A_293 = arith.andi %ne3A_289, %ne3A_292 : i1
      %sub3A_294 = arith.constant 1 : i32
      %sub3A_295 = arith.subi %div3A_274, %sub3A_294 : i32
      %select_n3A_296 = arith.select %and3A_293, %sub3A_295, %div3A_274 : i32
      %rem3A_297 = arith.constant 4 : i32
      %rem3A_298 = arith.remsi %add3A_185, %rem3A_297 : i32
      %mul3A_299 = arith.constant 16 : i32
      %mul3A_300 = arith.muli %add3A, %mul3A_299 : i32
      %add3A_301 = arith.addi %mul3A_300, %select_n3A_296 : i32
      %mul3A_302 = arith.constant 16 : i32
      %mul3A_303 = arith.muli %add3A_301, %mul3A_302 : i32
      %mul3A_304 = arith.constant 1024 : i32
      %mul3A_305 = arith.muli %rem3A_298, %mul3A_304 : i32
      %dma_start3A_306 = tpu.memref_slice %arg3[%mul3A_303, %mul3A_305] : memref<8192x4096xf32, #tpu.memory_space<hbm>> -> memref<16x1024xf32, #tpu.memory_space<hbm>>
      %dma_start3A_307 = tpu.memref_slice %arg3[%mul3A_303, %mul3A_305] : memref<8192x4096xf32, #tpu.memory_space<hbm>> -> memref<16x1024xf32, #tpu.memory_space<hbm>>
      tpu.enqueue_dma source(%arg7 : memref<16x1024xf32, #tpu.memory_space<vmem>>) target(%dma_start3A_307 : memref<16x1024xf32, #tpu.memory_space<hbm>>) target_semaphore(%arg11 : memref<!tpu.dma_semaphore, #tpu.memory_space<semaphore_mem>>)
      scf.yield %parallel_loop3A_272#0, %parallel_loop3A_272#1, %parallel_loop3A_272#2, %parallel_loop3A_272#3, %parallel_loop3A_272#4, %parallel_loop3A_272#5, %parallel_loop3A_272#6, %parallel_loop3A_272#7, %parallel_loop3A_272#8, %parallel_loop3A_272#9, %parallel_loop3A_272#10, %parallel_loop3A_272#11, %parallel_loop3A_272#12, %parallel_loop3A_272#13, %parallel_loop3A_272#14, %parallel_loop3A_272#15 : vector<16xf32>, vector<16xf32>, vector<16xf32>, vector<16xf32>, vector<16xf32>, vector<16xf32>, vector<16xf32>, vector<16xf32>, vector<16xf32>, vector<16xf32>, vector<16xf32>, vector<16xf32>, vector<16xf32>, vector<16xf32>, vector<16xf32>, vector<16xf32>
    }
    %scan3A_23 = arith.constant 32 : i32
    %rem3A_24 = arith.constant 62 : i32
    %rem3A_25 = arith.constant 4 : i32
    %rem3A_26 = arith.remsi %rem3A_24, %rem3A_25 : i32
    %mul3A_27 = arith.constant 16 : i32
    %mul3A_28 = arith.muli %add3A, %mul3A_27 : i32
    %add3A_29 = arith.constant 15 : i32
    %add3A_30 = arith.addi %mul3A_28, %add3A_29 : i32
    %mul3A_31 = arith.constant 16 : i32
    %mul3A_32 = arith.muli %add3A_30, %mul3A_31 : i32
    %mul3A_33 = arith.constant 1024 : i32
    %mul3A_34 = arith.muli %rem3A_26, %mul3A_33 : i32
    %dma_wait3A = tpu.memref_slice %arg3[%mul3A_32, %mul3A_34] : memref<8192x4096xf32, #tpu.memory_space<hbm>> -> memref<16x1024xf32, #tpu.memory_space<hbm>>
    %dma_wait3A_35 = tpu.memref_slice %arg3[%mul3A_32, %mul3A_34] : memref<8192x4096xf32, #tpu.memory_space<hbm>> -> memref<16x1024xf32, #tpu.memory_space<hbm>>
    tpu.wait_dma2 semaphore(%arg10 : memref<!tpu.dma_semaphore, #tpu.memory_space<semaphore_mem>>) src(%arg6 : memref<16x1024xf32, #tpu.memory_space<vmem>>) dst(%dma_wait3A_35 : memref<16x1024xf32, #tpu.memory_space<hbm>>)
    %rem3A_36 = arith.constant 63 : i32
    %rem3A_37 = arith.constant 4 : i32
    %rem3A_38 = arith.remsi %rem3A_36, %rem3A_37 : i32
    %mul3A_39 = arith.constant 16 : i32
    %mul3A_40 = arith.muli %add3A, %mul3A_39 : i32
    %add3A_41 = arith.constant 15 : i32
    %add3A_42 = arith.addi %mul3A_40, %add3A_41 : i32
    %mul3A_43 = arith.constant 16 : i32
    %mul3A_44 = arith.muli %add3A_42, %mul3A_43 : i32
    %mul3A_45 = arith.constant 1024 : i32
    %mul3A_46 = arith.muli %rem3A_38, %mul3A_45 : i32
    %dma_wait3A_47 = tpu.memref_slice %arg3[%mul3A_44, %mul3A_46] : memref<8192x4096xf32, #tpu.memory_space<hbm>> -> memref<16x1024xf32, #tpu.memory_space<hbm>>
    %dma_wait3A_48 = tpu.memref_slice %arg3[%mul3A_44, %mul3A_46] : memref<8192x4096xf32, #tpu.memory_space<hbm>> -> memref<16x1024xf32, #tpu.memory_space<hbm>>
    tpu.wait_dma2 semaphore(%arg11 : memref<!tpu.dma_semaphore, #tpu.memory_space<semaphore_mem>>) src(%arg7 : memref<16x1024xf32, #tpu.memory_space<vmem>>) dst(%dma_wait3A_48 : memref<16x1024xf32, #tpu.memory_space<hbm>>)
    return
  }
}

</mosaic_0001>

<sc_bundles>
// kernel: kernel.3.cloned.1.call-start
scs
__scs_entry_jumppad:
0x0: {  	(pc) =	sbr.rel $0x88, $3  }
0x1: {  	(tag) =	ssettag $0x0;
	lr =	simm.s32 $0x1  }
0x2: {  	[smem:$0x3FA0] =	sst lr;
	_ =	strace $0xD0000000  }
0x3: {  	_ = 	snop  }
0x4: {  	_ = 	snop  }
0x5: {  	_ = 	snop  }
0x6: {  	_ = 	snop  }
0x7: {  	_ = 	snop  }
__scs_overlays_trampoline_lowered:
0x8: {  	[smem:$0x3FAF] =	sst s0  }
0x9: {  	[smem:$0x3FB0] =	sst s1  }
0xa: {  	[smem:$0x3FB1] =	sst s2  }
0xb: {  	[smem:$0x3FB2] =	sst s3  }
0xc: {  	[smem:$0x3FB3] =	sst s4  }
0xd: {  	[smem:$0x3FB4] =	sst s5  }
0xe: {  	[smem:$0x3FB5] =	sst s6  }
0xf: {  	[smem:$0x3FB6] =	sst s7  }
0x10: {  	[smem:$0x3FB7] =	sst s8  }
0x11: {  	[smem:$0x3FB8] =	sst s9;
	s0 =	simm.s32 @!p0 $0x0  }
0x12: {  	s1 =	sld [smem:$0x3F9E];
	s0 =	simm.s32 @p0 $0x1  }
0x13: {  	[smem:$0x3FB9] =	sst s0;
	s0 =	simm.s32 @!p1 $0x0  }
0x14: {  	s2 =	sld [smem:$0x3F9D];
	s0 =	simm.s32 @p1 $0x1  }
0x15: {  	[smem:$0x3FBA] =	sst s0;
	s0 =	simm.s32 @!p2 $0x0  }
0x16: {  	s3 =	sld [smem:$0x3FDB];
	s0 =	simm.s32 @p2 $0x1  }
0x17: {  	s4 =	simm.s32 $0x1BF5;
	[smem:$0x3FBC] =	sst s0  }
0x18: {  	s0 =	sld [smem:$0x3F9F];
	_ =	swait.ge [sflag:s4], $0x0  }
0x19: {  	s7 =	sld [smem:$0x3FA0]  }
0x1a: {  	s8 =	sadd.s32 $0xFFFFE003, lr  }
0x1b: {  	s9 =	sadd.s32 $0xFFFFFEF7, lr;
	s5 =	simm.s32 $0xFFFFFFFF;
	p2 =	slt.u32 s8, $0xFFFFF086  }
0x1c: {  	p1 =	slt.u32 s9, $0xF7A;
	s5 =	simm.s32 @!p2 $0x0  }
0x1d: {  	s5 =	simm.s32 @p1 $0x1;
	p0 =	seq.s32 s7, s2  }
0x1e: {  	s7 =	smul.u32 @!p0 $0xF7A, s2;
	p2 =	seq.s32 @!p0 s5, $0x0  }
0x1f: {  	s9 =	smul.u32 $0xF7A, s1;
	s8 =	simm.s32 @!p0 $0x1BF5;
	p2 =	por !p2, p0  }
0x20: {  	[sflag:s8] =	ssyncset.s32 @!p0 $0xFFFFF086;
	s6 =	sadd.s32 @!p0 s3, s7;
	s7 =	simm.s32 @!p0 $0x108  }
0x21: {  	s3 =	sadd.s32 s3, s9;
	s6 =	sadd.s32 @!p0 $0x88, s6;
	s7 =	simm.s32 @p2 $0x1082  }
0x22: {  	[simem:s7], [sflag:s8] =	dma.local @!p0 [hbm:s6], $0xF7A  }
0x23: {  	s9 =	sor.u32 $0xD0000000, s2;
	s6 =	simm.s32 $0x108;
	_ =	swait.ge @!p0 [sflag:s8], $0x0  }
0x24: {  	s3 =	sadd.s32 $0x88, s3;
	s6 =	simm.s32 @!p1 $0x1082;
	[sflag:s4] =	ssyncset.s32 $0xFFFFF086  }
0x25: {  	[simem:s6], [sflag:s4] =	dma.local [hbm:s3], $0xF7A  }
0x26: {  	[smem:$0x3FA0] =	sst s1;
	(tag) =	ssettag s2;
	_ =	strace s9  }
0x27: {  	s1 =	sld [smem:$0x3FB0]  }
0x28: {  	s2 =	sld [smem:$0x3FB1]  }
0x29: {  	s4 =	sld [smem:$0x3FB3]  }
0x2a: {  	p0 =	seq.s32 s5, $0x0;
	s5 =	sld [smem:$0x3FB4]  }
0x2b: {  	s6 =	sld [smem:$0x3FB5]  }
0x2c: {  	s7 =	sld [smem:$0x3FB6]  }
0x2d: {  	s3 =	simm.s32 $0x108;
	s8 =	sld [smem:$0x3FB7]  }
0x2e: {  	s3 =	simm.s32 @!p0 $0x1082;
	s9 =	sld [smem:$0x3FB8]  }
0x2f: {  	lr =	sadd.s32 s0, s3;
	s0 =	sld [smem:$0x3FAF]  }
0x30: {  	s3 =	sld [smem:$0x3FB2]  }
0x31: {  	[smem:$0x3FBB] =	sst s10  }
0x32: {  	s10 =	sld [smem:$0x3FB9];
	_ =	sdelay $0x3  }
0x33: {  	p0 =	seq.s32 s10, $0x1;
	s10 =	sld [smem:$0x3FBB];
	_ =	sdelay $0x3  }
0x34: {  	[smem:$0x3FBB] =	sst s10  }
0x35: {  	s10 =	sld [smem:$0x3FBA];
	_ =	sdelay $0x3  }
0x36: {  	p1 =	seq.s32 s10, $0x1;
	s10 =	sld [smem:$0x3FBB];
	_ =	sdelay $0x3  }
0x37: {  	[smem:$0x3FBB] =	sst s10  }
0x38: {  	s10 =	sld [smem:$0x3FBC]  }
0x39: {  	_ = 	snop;
	(pc) =	sbr.ind lr, $3  }
0x3a: {  	_ = 	snop  }
0x3b: {  	_ = 	snop  }
0x3c: {  	p2 =	seq.s32 s10, $0x1;
	s10 =	sld [smem:$0x3FBB]  }
0x3d: {  	_ =	shalt  }
0x3e: {  	_ =	shalt  }
0x3f: {  	_ =	shalt  }
0x40: {  	_ =	shalt  }
0x41: {  	_ =	shalt  }
0x42: {  	_ =	shalt  }
0x43: {  	_ =	shalt  }
0x44: {  	_ =	shalt  }
0x45: {  	_ =	shalt  }
0x46: {  	_ =	shalt  }
0x47: {  	_ =	shalt  }
0x48: {  	_ =	shalt  }
0x49: {  	_ =	shalt  }
0x4a: {  	_ =	shalt  }
0x4b: {  	_ =	shalt  }
0x4c: {  	_ =	shalt  }
0x4d: {  	_ =	shalt  }
0x4e: {  	_ =	shalt  }
0x4f: {  	_ =	shalt  }
0x50: {  	_ =	shalt  }
0x51: {  	_ =	shalt  }
0x52: {  	_ =	shalt  }
0x53: {  	_ =	shalt  }
0x54: {  	_ =	shalt  }
0x55: {  	_ =	shalt  }
0x56: {  	_ =	shalt  }
0x57: {  	_ =	shalt  }
0x58: {  	_ =	shalt  }
0x59: {  	_ =	shalt  }
0x5a: {  	_ =	shalt  }
0x5b: {  	_ =	shalt  }
0x5c: {  	_ =	shalt  }
0x5d: {  	_ =	shalt  }
0x5e: {  	_ =	shalt  }
0x5f: {  	_ =	shalt  }
0x60: {  	_ =	shalt  }
0x61: {  	_ =	shalt  }
0x62: {  	_ =	shalt  }
0x63: {  	_ =	shalt  }
0x64: {  	_ =	shalt  }
0x65: {  	_ =	shalt  }
0x66: {  	_ =	shalt  }
0x67: {  	_ =	shalt  }
0x68: {  	_ =	shalt  }
0x69: {  	_ =	shalt  }
0x6a: {  	_ =	shalt  }
0x6b: {  	_ =	shalt  }
0x6c: {  	_ =	shalt  }
0x6d: {  	_ =	shalt  }
0x6e: {  	_ =	shalt  }
0x6f: {  	_ =	shalt  }
0x70: {  	_ =	shalt  }
0x71: {  	_ =	shalt  }
0x72: {  	_ =	shalt  }
0x73: {  	_ =	shalt  }
0x74: {  	_ =	shalt  }
0x75: {  	_ =	shalt  }
0x76: {  	_ =	shalt  }
0x77: {  	_ =	shalt  }
0x78: {  	_ =	shalt  }
0x79: {  	_ =	shalt  }
0x7a: {  	_ =	shalt  }
0x7b: {  	_ =	shalt  }
0x7c: {  	_ =	shalt  }
0x7d: {  	_ =	shalt  }
0x7e: {  	_ =	shalt  }
0x7f: {  	_ =	shalt  }
0x80: {  	_ =	shalt  }
0x81: {  	_ =	shalt  }
0x82: {  	_ =	shalt  }
0x83: {  	_ =	shalt  }
0x84: {  	_ =	shalt  }
0x85: {  	_ =	shalt  }
0x86: {  	_ =	shalt  }
0x87: {  	_ =	shalt  }
.Lfunc_end0:
.L_simem_size_0:
called_computation_lowered:
.L_overlay_start_0:
0x88: {  	s2 =	sld [smem:$0x3FD9]  }
0x89: {  	s3 =	sld [smem:$0x3FFE];
	_ =	sdelay $0x1  }
0x8a: {  	s1 =	srdreg.scid  }
0x8b: {  	s0 =	sand.u32 $0x1, s1  }
0x8c: {  	s18 =	sshll.u32 s0, $0xA;
	s2 =	sadd.s32 s3, s2  }
0x8d: {  	s2 =	sadd.s32 s2, s18  }
0x8e: {  	[smem:$0x3FC7] =	sst s2  }
0x8f: {  	_ = 	snop  }
0x90: {  	s2 =	sld [smem:$0x3FC9]  }
0x91: {  	s19 =	sld [smem:$0x3FD0];
	(tm) =	ssettm $0x1  }
0x92: {  	s4 =	sld [smem:$0x3FFB];
	_ =	sdelay $0x3  }
0x93: {  	_ =	strace s4  }
0x94: {  	s4 =	sld [smem:$0x3FFC];
	_ =	sdelay $0x3  }
0x95: {  	_ =	strace s4  }
0x96: {  	s4 =	sld [smem:$0x3FFD];
	_ =	sdelay $0x3  }
0x97: {  	_ =	strace s4  }
0x98: {  	_ =	strace $0x8FFFFFFF  }
0x99: {  	s20 =	sld [smem:$0x3FDB];
	_ =	sdelay $0x1  }
0x9a: {  	s5 =	simm.s32 $_scs_section_size  }
0x9b: {  	s6 =	simm.s32 $_size__tile_overlayer_lowered;
	s7 =	simm.s32 $_tile_overlayer_lowered  }
0x9c: {  	s23 =	simm.s32 $0x1BFF;
	s22 =	sshll.u32 s7, $0x1;
	s4 =	sadd.s32 s5, s20  }
0x9d: {  	s8 =	simm.s32 $0x0;
	s21 =	sshll.u32 s6, $0x1;
	s6 =	sadd.s32 s22, s4  }
0x9e: {  	[timem:s8], [sflag:s23] =	dma.local [hbm:s6], s21  }
0x9f: {  	_ =	swait.ge [sflag:s23], s21  }
0xa0: {  	s5 =	ssub.s32 $0x0, s21;
	[sflag:s23] =	ssyncset.done $0x0  }
0xa1: {  	[sflag:s23] =	ssyncadd.s32 s5;
	_ =	sdelay $0x1  }
0xa2: {  	s24 =	simm.s32 $0x1B8B  }
0xa3: {  	_ =	swait.ge [sflag:s24], $0x1  }
0xa4: {  	[sflag:s24] =	ssyncset.done $0x0  }
0xa5: {  	s25 =	simm.s32 $0x1B8E;
	[sflag:s24] =	ssyncadd.s32 $0xFFFFFFFF  }
0xa6: {  	s26 =	simm.s32 $execute0_lowered;
	[smem:$0x3FD2] =	sst s25  }
0xa7: {  	s5 =	sshll.u32 s26, $0x1;
	_ =	strace $0x80000046;
	[dreg:$0x1] =	wrdreg $0xFFFFFFFF  }
0xa8: {  	s28 =	simm.s32 $_size_execute0_lowered;
	s4 =	sadd.s32 s4, s5;
	[dreg:$0x0] =	wrdreg $0x0  }
0xa9: {  	s5 =	sshll.u32 s28, $0x1;
	[dreg:$0x2] =	wrdreg s4  }
0xaa: {  	[dreg:$0x3] =	wrdreg s5  }
0xab: {  	[dreg:$0x4] =	wrdreg $0xC0  }
0xac: {  	_ =	task [dreg:s8], $0x5FFFF  }
0xad: {  	[dreg:$0x1] =	wrdreg $0xFFFFFFFF  }
0xae: {  	[dreg:$0x0] =	wrdreg $0x60  }
0xaf: {  	[dreg:$0x2] =	wrdreg s2  }
0xb0: {  	[dreg:$0x3] =	wrdreg s19  }
0xb1: {  	[dreg:$0x4] =	wrdreg $0x9  }
0xb2: {  	_ =	task.clear_ibuf [dreg:s8], $0x5FFFF;
	_ =	strace $0x90000046  }
0xb3: {  	s29 =	simm.s32 $0x9;
	_ =	strace $0x80000048  }
0xb4: {  	_ =	swait.ge [sflag:s29], $0x1  }
0xb5: {  	[sflag:s29] =	ssyncadd.s32 $0xFFFFFFFF  }
0xb6: {  	_ =	strace $0x90000048  }
0xb7: {  	_ =	sfence  }
0xb8: {  	s30 =	sld [smem:$0x0];
	_ =	sdelay $0x2  }
0xb9: {  	s31 =	sshll.u32 s1, $0xD;
	s1 =	sshrl.u32 s1, $0x2  }
0xba: {  	s3 =	sand.u32 $0x4000, s31;
	s1 =	sadd.s32 s1, s30  }
0xbb: {  	s0 =	sor.u32 s3, s0;
	s1 =	sshll.u32 s1, $0x11  }
0xbc: {  	s0 =	sor.u32 s1, s0  }
0xbd: {  	s0 =	sadd.s32 $0x8F2B, s0  }
0xbe: {  	[sflag:s0] =	ssyncadd.remote.s32 $0x1  }
0xbf: {  	_ =	sfence.sel $0xFFFF  }
0xc0: {  	[dreg:$0x0] =	wrdreg $0xFFFFFFFF;
	(pc) =	sbr.abs _section_cstart, $3  }
0xc1: {  	[dreg:$0x1] =	wrdreg $0xFFFFFFFF  }
0xc2: {  	_ =	task.clear_ibuf [dreg:s8], $0x2FFFF;
	_ =	strace $0x9FFFFFFF  }
0xc3: {  	(tm) =	ssettm $0x7FFFFFFF  }
tec
execute0_lowered:
.L_overlay_start_1:
0x0: {  	(tag) =	ssettag $0x1  }
0x1: {  	s2 =	rddreg [dreg:$0x0]  }
0x2: {  	s3 =	rddreg [dreg:$0x1]  }
0x3: {  	s4 =	srdreg.scid;
	s1 =	stileid.u32;
	s9 =	simm.s32 $0x2000  }
0x4: {  	s10 =	simm.s32 $0x8000;
	s11 =	simm.s32 $0x4000;
	s12 =	simm.s32 $0x1  }
0x5: {  	s13 =	simm.s32 $0x2;
	s14 =	simm.s32 $0x4;
	s15 =	simm.s32 $0xC000  }
0x6: {  	s16 =	simm.s32 $0x3;
	s17 =	simm.s32 $0x0;
	s5 =	sand.u32 $0x1, s4  }
0x7: {  	s4 =	simm.s32 $0x0;
	s7 =	sshll.u32 s1, $0x1;
	s6 =	ssub.s32 $0x2, s5  }
0x8: {  	[smem:$0x7FF] =	sst s4;
	s7 =	sor.u32 s5, s7;
	s8 =	sshrl.u32 s6, $0x1  }
0x9: {  	_ =	strace $0x80000047;
	s5 =	sshll.u32 s7, $0x11;
	s8 =	ssub.s32 s6, s8  }
0xa: {  	v0 =	vimm.s32 $0xF;
	s7 =	sshll.u32 s7, $0x4;
	s6 =	sadd.s32 s2, s5;
	s8 =	smax.u32 s8, $0x1  }
.LBB2_1:
0xb: {  	v1 =	vimm.f32 $0.0e+00  }
0xc: {  	v2 =	vimm.f32 $0.0e+00;
	v3 =	vimm.f32 $0.0e+00;
	v4 =	vimm.f32 $0.0e+00  }
0xd: {  	v5 =	vimm.f32 $0.0e+00;
	v7 =	vimm.f32 $0.0e+00;
	v6 =	vimm.f32 $0.0e+00  }
0xe: {  	v8 =	vimm.f32 $0.0e+00;
	v9 =	vimm.f32 $0.0e+00;
	v10 =	vimm.f32 $0.0e+00  }
0xf: {  	[tilespmem:s4], [sflag:$0x1] =	stream.strided.gather [hbm4b:s6+s9], $0x4000, s10, s9, $0x38;
	v11 =	vimm.f32 $0.0e+00;
	v12 =	vimm.f32 $0.0e+00;
	v13 =	vimm.f32 $0.0e+00;
	[tilespmem:$0x10000] =	vst v63  }
0x10: {  	v14 =	vimm.f32 $0.0e+00;
	v15 =	vimm.f32 $0.0e+00;
	v16 =	vimm.f32 $0.0e+00;
	s18 =	simm.s32 $0x0  }
.LBB2_2:
0x11: {  	s19 =	sshll.u32 s18, $0xC;
	s21 =	sshll.u32 s18, $0xB  }
0x12: {  	s20 =	sshll.u32 s18, $0x1;
	s19 =	sand.u32 $0x1E000, s19;
	s21 =	sand.u32 $0x800, s21  }
0x13: {  	s22 =	sor.u32 s19, s5;
	s19 =	sor.u32 $0x400, s21;
	s21 =	sand.u32 $0x2, s20  }
0x14: {  	s24 =	simm.f32 $1.000000000e+00;
	p0 =	sne.s32 s21, $0x0  }
0x15: {  	s23 =	sadd.s32 s2, s19;
	s24 =	simm.s32 @!p0 $0x0  }
0x16: {  	s22 =	sadd.s32 s22, s23;
	v16 =	vmul.f32 s24, v16;
	v15 =	vmul.f32 s24, v15  }
0x17: {  	[tilespmem:s11], [sflag:$0x2] =	stream.strided.gather [hbm4b:s22+s9], $0x4000, s10, s9, $0x38;
	v14 =	vmul.f32 s24, v14;
	v13 =	vmul.f32 s24, v13;
	[tilespmem:$0x10000] =	vst v63  }
0x18: {  	v12 =	vmul.f32 s24, v12;
	v11 =	vmul.f32 s24, v11;
	_ =	swait.ge [sflag:s12], $0x4000  }
0x19: {  	p0 =	seq.s32 s18, $0x0;
	v10 =	vmul.f32 s24, v10;
	v9 =	vmul.f32 s24, v9;
	[sflag:s12] =	ssyncset.done $0x0  }
0x1a: {  	s23 =	simm.s32 @!p0 $0x3;
	v8 =	vmul.f32 s24, v8;
	v6 =	vmul.f32 s24, v6;
	[sflag:s12] =	ssyncadd.s32 $0xFFFFC000  }
0x1b: {  	s31 =	sshrl.u32 s18, $0x1;
	p1 =	por $0x0, $0x0;
	v7 =	vmul.f32 s24, v7;
	v5 =	vmul.f32 s24, v5;
	_ =	swait.ge @!p0 [sflag:s23], $0x4000  }
0x1c: {  	s25 =	simm.s32 $0x0;
	s22 =	sor.u32 s7, s31;
	v4 =	vmul.f32 s24, v4;
	v3 =	vmul.f32 s24, v3;
	[sflag:s23] =	ssyncset.done @!p0 $0x0  }
0x1d: {  	v2 =	vmul.f32 s24, v2;
	v1 =	vmul.f32 s24, v1;
	s24 =	simm.s32 $0x0;
	[sflag:s23] =	ssyncadd.s32 @!p0 $0xFFFFC000;
	s23 =	simm.s32 $0xFFFFFFFC  }
.LBB2_3:
0x1e: {  	s26 =	sand.u32 $0x40, s24;
	s28 =	sand.u32 $0x1C00, s25  }
0x1f: {  	s26 =	sor.u32 s26, s28  }
0x20: {  	v17 =	vld [tilespmem:s26+$0x0]  }
0x21: {  	v18 =	vld [tilespmem:s26+$0x80]  }
0x22: {  	v19 =	vld [tilespmem:s26+$0x100]  }
0x23: {  	v20 =	vld [tilespmem:s26+$0x180];
	_ =	sdelay $0x1  }
0x24: {  	(xrf2) =	vadd.scan.msk.f32 $0xffff, v17  }
0x25: {  	(xrf2) =	vadd.scan.msk.f32 $0xffff, v18  }
0x26: {  	(xrf2) =	vadd.scan.msk.f32 $0xffff, v19  }
0x27: {  	(xrf2) =	vadd.scan.msk.f32 $0xffff, v20;
	_ =	sdelay $0x6  }
0x28: {  	v17, _, _ =	vpop (xrf2)  }
0x29: {  	v16 =	vadd.f32 v17, v16;
	v17, _, _ =	vpop (xrf2)  }
0x2a: {  	s28 =	simm.s32 $0x1;
	v15 =	vadd.f32 v17, v15;
	v17, _, _ =	vpop (xrf2)  }
0x2b: {  	s28 =	simm.s32 @!p1 $0x0;
	[tilespmem:s26+$0x8000] =	vst v16;
	v14 =	vadd.f32 v17, v14;
	v17, _, _ =	vpop (xrf2)  }
0x2c: {  	s28 =	sshll.u32 s28, $0x6;
	[tilespmem:s26+$0x8080] =	vst v15;
	v13 =	vadd.f32 v17, v13  }
0x2d: {  	s29 =	sadd.s32 s28, s25;
	[tilespmem:s26+$0x8100] =	vst v14  }
0x2e: {  	s28 =	sor.u32 $0x200, s29;
	[tilespmem:s26+$0x8180] =	vst v13  }
0x2f: {  	v17 =	vld [tilespmem:s28+$0x0];
	_ =	sdelay $0x4  }
0x30: {  	(xrf2) =	vadd.scan.msk.f32 $0xffff, v17;
	_ =	sdelay $0x9  }
0x31: {  	v17, _, _ =	vpop (xrf2)  }
0x32: {  	v12 =	vadd.f32 v17, v12;
	_ =	sdelay $0x1  }
0x33: {  	s30 =	sor.u32 $0x280, s29;
	[tilespmem:s28+$0x8000] =	vst v12  }
0x34: {  	v17 =	vld [tilespmem:s30+$0x0];
	_ =	sdelay $0x4  }
0x35: {  	(xrf2) =	vadd.scan.msk.f32 $0xffff, v17;
	_ =	sdelay $0x9  }
0x36: {  	v17, _, _ =	vpop (xrf2)  }
0x37: {  	v11 =	vadd.f32 v17, v11;
	_ =	sdelay $0x1  }
0x38: {  	s31 =	sor.u32 $0x300, s29;
	[tilespmem:s30+$0x8000] =	vst v11  }
0x39: {  	v17 =	vld [tilespmem:s31+$0x0];
	_ =	sdelay $0x4  }
0x3a: {  	(xrf2) =	vadd.scan.msk.f32 $0xffff, v17;
	_ =	sdelay $0x9  }
0x3b: {  	v17, _, _ =	vpop (xrf2)  }
0x3c: {  	v10 =	vadd.f32 v17, v10  }
0x3d: {  	s30 =	sor.u32 s24, s25  }
0x3e: {  	s0 =	sor.u32 $0x380, s30;
	[tilespmem:s31+$0x8000] =	vst v10  }
0x3f: {  	v17 =	vld [tilespmem:s0+$0x0];
	_ =	sdelay $0x4  }
0x40: {  	(xrf2) =	vadd.scan.msk.f32 $0xffff, v17;
	_ =	sdelay $0x9  }
0x41: {  	v17, _, _ =	vpop (xrf2)  }
0x42: {  	v9 =	vadd.f32 v17, v9;
	_ =	sdelay $0x1  }
0x43: {  	[tilespmem:s0+$0x8000] =	vst v9  }
0x44: {  	v17 =	vld [tilespmem:s26+$0x2000]  }
0x45: {  	v18 =	vld [tilespmem:s26+$0x2080]  }
0x46: {  	v19 =	vld [tilespmem:s26+$0x2100]  }
0x47: {  	v35 =	vld [tilespmem:s26+$0x2180];
	_ =	sdelay $0x1  }
0x48: {  	(xrf2) =	vadd.scan.msk.f32 $0xffff, v17  }
0x49: {  	(xrf2) =	vadd.scan.msk.f32 $0xffff, v18  }
0x4a: {  	(xrf2) =	vadd.scan.msk.f32 $0xffff, v19  }
0x4b: {  	(xrf2) =	vadd.scan.msk.f32 $0xffff, v35;
	_ =	sdelay $0x6  }
0x4c: {  	v17, _, _ =	vpop (xrf2)  }
0x4d: {  	v8 =	vadd.f32 v17, v8;
	v17, _, _ =	vpop (xrf2)  }
0x4e: {  	v6 =	vadd.f32 v17, v6;
	v17, _, _ =	vpop (xrf2)  }
0x4f: {  	[tilespmem:s26+$0xA000] =	vst v8;
	v7 =	vadd.f32 v17, v7;
	v17, _, _ =	vpop (xrf2)  }
0x50: {  	[tilespmem:s26+$0xA080] =	vst v6;
	v5 =	vadd.f32 v17, v5  }
0x51: {  	[tilespmem:s26+$0xA100] =	vst v7  }
0x52: {  	s31 =	sor.u32 $0x2200, s29;
	[tilespmem:s26+$0xA180] =	vst v5  }
0x53: {  	v17 =	vld [tilespmem:s31+$0x0];
	_ =	sdelay $0x4  }
0x54: {  	(xrf2) =	vadd.scan.msk.f32 $0xffff, v17;
	_ =	sdelay $0x9  }
0x55: {  	v17, _, _ =	vpop (xrf2)  }
0x56: {  	v4 =	vadd.f32 v17, v4;
	_ =	sdelay $0x1  }
0x57: {  	s0 =	sor.u32 $0x2280, s29;
	[tilespmem:s31+$0x8000] =	vst v4  }
0x58: {  	v17 =	vld [tilespmem:s0+$0x0];
	_ =	sdelay $0x4  }
0x59: {  	(xrf2) =	vadd.scan.msk.f32 $0xffff, v17;
	_ =	sdelay $0x9  }
0x5a: {  	v17, _, _ =	vpop (xrf2)  }
0x5b: {  	v3 =	vadd.f32 v17, v3;
	_ =	sdelay $0x1  }
0x5c: {  	s31 =	sor.u32 $0x2300, s29;
	[tilespmem:s0+$0x8000] =	vst v3  }
0x5d: {  	v17 =	vld [tilespmem:s31+$0x0];
	_ =	sdelay $0x4  }
0x5e: {  	(xrf2) =	vadd.scan.msk.f32 $0xffff, v17;
	_ =	sdelay $0x9  }
0x5f: {  	v17, _, _ =	vpop (xrf2)  }
0x60: {  	v17 =	vadd.f32 v17, v2;
	_ =	sdelay $0x1  }
0x61: {  	s28 =	sor.u32 $0x2380, s30;
	[tilespmem:s31+$0x8000] =	vst v17  }
0x62: {  	v2 =	vld [tilespmem:s28+$0x0]  }
0x63: {  	v18 =	vld [tilespmem:s26+$0x10]  }
0x64: {  	v19 =	vld [tilespmem:s26+$0x90]  }
0x65: {  	v36 =	vld [tilespmem:s26+$0x110]  }
0x66: {  	v21 =	vld [tilespmem:s26+$0x190]  }
0x67: {  	(xrf2) =	vadd.scan.msk.f32 $0xffff, v2  }
0x68: {  	(xrf2) =	vadd.scan.msk.f32 $0xffff, v18  }
0x69: {  	(xrf2) =	vadd.scan.msk.f32 $0xffff, v19  }
0x6a: {  	(xrf2) =	vadd.scan.msk.f32 $0xffff, v36  }
0x6b: {  	(xrf2) =	vadd.scan.msk.f32 $0xffff, v21;
	_ =	sdelay $0x5  }
0x6c: {  	v16 =	vperm.xlane v16, v0;
	v2, _, _ =	vpop (xrf2)  }
0x6d: {  	v15 =	vperm.xlane v15, v0;
	v18, _, _ =	vpop (xrf2)  }
0x6e: {  	v14 =	vperm.xlane v14, v0;
	v16 =	vadd.f32 v18, v16;
	v18, _, _ =	vpop (xrf2)  }
0x6f: {  	v13 =	vperm.xlane v13, v0;
	v15 =	vadd.f32 v18, v15;
	v18, _, _ =	vpop (xrf2)  }
0x70: {  	[tilespmem:s26+$0x8010] =	vst v16;
	v14 =	vadd.f32 v18, v14;
	v18, _, _ =	vpop (xrf2)  }
0x71: {  	[tilespmem:s26+$0x8090] =	vst v15;
	v13 =	vadd.f32 v18, v13  }
0x72: {  	s30 =	sadd.s32 $0x10, s29;
	[tilespmem:s26+$0x8110] =	vst v14  }
0x73: {  	s31 =	sor.u32 $0x200, s30;
	[tilespmem:s26+$0x8190] =	vst v13  }
0x74: {  	v18 =	vld [tilespmem:s31+$0x0];
	_ =	sdelay $0x4  }
0x75: {  	(xrf2) =	vadd.scan.msk.f32 $0xffff, v18;
	_ =	sdelay $0x8  }
0x76: {  	v12 =	vperm.xlane v12, v0  }
0x77: {  	v18, _, _ =	vpop (xrf2)  }
0x78: {  	v12 =	vadd.f32 v18, v12;
	_ =	sdelay $0x1  }
0x79: {  	s0 =	sor.u32 $0x280, s30;
	[tilespmem:s31+$0x8000] =	vst v12  }
0x7a: {  	v18 =	vld [tilespmem:s0+$0x0];
	_ =	sdelay $0x4  }
0x7b: {  	(xrf2) =	vadd.scan.msk.f32 $0xffff, v18;
	_ =	sdelay $0x8  }
0x7c: {  	v11 =	vperm.xlane v11, v0  }
0x7d: {  	v18, _, _ =	vpop (xrf2)  }
0x7e: {  	v11 =	vadd.f32 v18, v11;
	_ =	sdelay $0x1  }
0x7f: {  	[tilespmem:s0+$0x8000] =	vst v11;
	s0 =	sor.u32 $0x300, s30  }
0x80: {  	v18 =	vld [tilespmem:s0+$0x0];
	_ =	sdelay $0x4  }
0x81: {  	(xrf2) =	vadd.scan.msk.f32 $0xffff, v18;
	_ =	sdelay $0x8  }
0x82: {  	v10 =	vperm.xlane v10, v0  }
0x83: {  	v18, _, _ =	vpop (xrf2)  }
0x84: {  	v10 =	vadd.f32 v18, v10;
	_ =	sdelay $0x1  }
0x85: {  	[tilespmem:s0+$0x8000] =	vst v10;
	s0 =	sor.u32 $0x380, s30  }
0x86: {  	v18 =	vld [tilespmem:s0+$0x0];
	_ =	sdelay $0x4  }
0x87: {  	(xrf2) =	vadd.scan.msk.f32 $0xffff, v18;
	_ =	sdelay $0x8  }
0x88: {  	v9 =	vperm.xlane v9, v0  }
0x89: {  	v18, _, _ =	vpop (xrf2)  }
0x8a: {  	v9 =	vadd.f32 v18, v9;
	_ =	sdelay $0x1  }
0x8b: {  	[tilespmem:s0+$0x8000] =	vst v9  }
0x8c: {  	v18 =	vld [tilespmem:s26+$0x2010]  }
0x8d: {  	v19 =	vld [tilespmem:s26+$0x2090]  }
0x8e: {  	v37 =	vld [tilespmem:s26+$0x2110]  }
0x8f: {  	v38 =	vld [tilespmem:s26+$0x2190];
	_ =	sdelay $0x1  }
0x90: {  	(xrf2) =	vadd.scan.msk.f32 $0xffff, v18  }
0x91: {  	(xrf2) =	vadd.scan.msk.f32 $0xffff, v19  }
0x92: {  	(xrf2) =	vadd.scan.msk.f32 $0xffff, v37  }
0x93: {  	(xrf2) =	vadd.scan.msk.f32 $0xffff, v38;
	_ =	sdelay $0x5  }
0x94: {  	v8 =	vperm.xlane v8, v0  }
0x95: {  	v6 =	vperm.xlane v6, v0;
	v18, _, _ =	vpop (xrf2)  }
0x96: {  	v7 =	vperm.xlane v7, v0;
	v8 =	vadd.f32 v18, v8;
	v18, _, _ =	vpop (xrf2)  }
0x97: {  	v5 =	vperm.xlane v5, v0;
	v6 =	vadd.f32 v18, v6;
	v18, _, _ =	vpop (xrf2)  }
0x98: {  	[tilespmem:s26+$0xA010] =	vst v8;
	v7 =	vadd.f32 v18, v7;
	v18, _, _ =	vpop (xrf2)  }
0x99: {  	[tilespmem:s26+$0xA090] =	vst v6;
	v5 =	vadd.f32 v18, v5  }
0x9a: {  	[tilespmem:s26+$0xA110] =	vst v7  }
0x9b: {  	s0 =	sor.u32 $0x2200, s30;
	[tilespmem:s26+$0xA190] =	vst v5  }
0x9c: {  	v18 =	vld [tilespmem:s0+$0x0];
	_ =	sdelay $0x4  }
0x9d: {  	(xrf2) =	vadd.scan.msk.f32 $0xffff, v18;
	_ =	sdelay $0x8  }
0x9e: {  	v4 =	vperm.xlane v4, v0  }
0x9f: {  	v18, _, _ =	vpop (xrf2)  }
0xa0: {  	v4 =	vadd.f32 v18, v4;
	_ =	sdelay $0x1  }
0xa1: {  	[tilespmem:s0+$0x8000] =	vst v4;
	s0 =	sor.u32 $0x2280, s30  }
0xa2: {  	v18 =	vld [tilespmem:s0+$0x0];
	_ =	sdelay $0x4  }
0xa3: {  	(xrf2) =	vadd.scan.msk.f32 $0xffff, v18;
	_ =	sdelay $0x8  }
0xa4: {  	v3 =	vperm.xlane v3, v0  }
0xa5: {  	v18, _, _ =	vpop (xrf2)  }
0xa6: {  	v18 =	vadd.f32 v18, v3;
	_ =	sdelay $0x1  }
0xa7: {  	[tilespmem:s0+$0x8000] =	vst v18;
	s0 =	sor.u32 $0x2300, s30  }
0xa8: {  	v3 =	vld [tilespmem:s0+$0x0];
	_ =	sdelay $0x4  }
0xa9: {  	(xrf2) =	vadd.scan.msk.f32 $0xffff, v3;
	_ =	sdelay $0x8  }
0xaa: {  	v3 =	vperm.xlane v17, v0  }
0xab: {  	v17, _, _ =	vpop (xrf2)  }
0xac: {  	v17 =	vadd.f32 v17, v3;
	_ =	sdelay $0x1  }
0xad: {  	s30 =	sor.u32 $0x2380, s30;
	[tilespmem:s0+$0x8000] =	vst v17  }
0xae: {  	v3 =	vld [tilespmem:s30+$0x0]  }
0xaf: {  	v19 =	vld [tilespmem:s26+$0x20]  }
0xb0: {  	v39 =	vld [tilespmem:s26+$0xA0]  }
0xb1: {  	v40 =	vld [tilespmem:s26+$0x120]  }
0xb2: {  	v22 =	vld [tilespmem:s26+$0x1A0]  }
0xb3: {  	(xrf2) =	vadd.scan.msk.f32 $0xffff, v3  }
0xb4: {  	(xrf2) =	vadd.scan.msk.f32 $0xffff, v19  }
0xb5: {  	(xrf2) =	vadd.scan.msk.f32 $0xffff, v39  }
0xb6: {  	(xrf2) =	vadd.scan.msk.f32 $0xffff, v40  }
0xb7: {  	(xrf2) =	vadd.scan.msk.f32 $0xffff, v22;
	_ =	sdelay $0x5  }
0xb8: {  	v16 =	vperm.xlane v16, v0;
	v3, _, _ =	vpop (xrf2)  }
0xb9: {  	v15 =	vperm.xlane v15, v0;
	v19, _, _ =	vpop (xrf2)  }
0xba: {  	v14 =	vperm.xlane v14, v0;
	v16 =	vadd.f32 v19, v16;
	v19, _, _ =	vpop (xrf2)  }
0xbb: {  	v13 =	vperm.xlane v13, v0;
	v15 =	vadd.f32 v19, v15;
	v19, _, _ =	vpop (xrf2)  }
0xbc: {  	[tilespmem:s26+$0x8020] =	vst v16;
	v14 =	vadd.f32 v19, v14;
	v19, _, _ =	vpop (xrf2)  }
0xbd: {  	[tilespmem:s26+$0x80A0] =	vst v15;
	v13 =	vadd.f32 v19, v13  }
0xbe: {  	s31 =	sadd.s32 $0x20, s29;
	[tilespmem:s26+$0x8120] =	vst v14  }
0xbf: {  	s0 =	sor.u32 $0x200, s31;
	[tilespmem:s26+$0x81A0] =	vst v13  }
0xc0: {  	v19 =	vld [tilespmem:s0+$0x0];
	_ =	sdelay $0x4  }
0xc1: {  	(xrf2) =	vadd.scan.msk.f32 $0xffff, v19;
	_ =	sdelay $0x8  }
0xc2: {  	v12 =	vperm.xlane v12, v0  }
0xc3: {  	v19, _, _ =	vpop (xrf2)  }
0xc4: {  	v12 =	vadd.f32 v19, v12;
	_ =	sdelay $0x1  }
0xc5: {  	[tilespmem:s0+$0x8000] =	vst v12;
	s0 =	sor.u32 $0x280, s31  }
0xc6: {  	v19 =	vld [tilespmem:s0+$0x0];
	_ =	sdelay $0x4  }
0xc7: {  	(xrf2) =	vadd.scan.msk.f32 $0xffff, v19;
	_ =	sdelay $0x8  }
0xc8: {  	v11 =	vperm.xlane v11, v0  }
0xc9: {  	v19, _, _ =	vpop (xrf2)  }
0xca: {  	v11 =	vadd.f32 v19, v11;
	_ =	sdelay $0x1  }
0xcb: {  	[tilespmem:s0+$0x8000] =	vst v11;
	s0 =	sor.u32 $0x300, s31  }
0xcc: {  	v19 =	vld [tilespmem:s0+$0x0];
	_ =	sdelay $0x4  }
0xcd: {  	(xrf2) =	vadd.scan.msk.f32 $0xffff, v19;
	_ =	sdelay $0x8  }
0xce: {  	v10 =	vperm.xlane v10, v0  }
0xcf: {  	v19, _, _ =	vpop (xrf2)  }
0xd0: {  	v10 =	vadd.f32 v19, v10;
	_ =	sdelay $0x1  }
0xd1: {  	[tilespmem:s0+$0x8000] =	vst v10;
	s0 =	sor.u32 $0x380, s31  }
0xd2: {  	v19 =	vld [tilespmem:s0+$0x0];
	_ =	sdelay $0x4  }
0xd3: {  	(xrf2) =	vadd.scan.msk.f32 $0xffff, v19;
	_ =	sdelay $0x8  }
0xd4: {  	v9 =	vperm.xlane v9, v0  }
0xd5: {  	v19, _, _ =	vpop (xrf2)  }
0xd6: {  	v9 =	vadd.f32 v19, v9;
	_ =	sdelay $0x1  }
0xd7: {  	[tilespmem:s0+$0x8000] =	vst v9  }
0xd8: {  	v19 =	vld [tilespmem:s26+$0x2020]  }
0xd9: {  	v41 =	vld [tilespmem:s26+$0x20A0]  }
0xda: {  	v42 =	vld [tilespmem:s26+$0x2120]  }
0xdb: {  	v43 =	vld [tilespmem:s26+$0x21A0];
	_ =	sdelay $0x1  }
0xdc: {  	(xrf2) =	vadd.scan.msk.f32 $0xffff, v19  }
0xdd: {  	(xrf2) =	vadd.scan.msk.f32 $0xffff, v41  }
0xde: {  	(xrf2) =	vadd.scan.msk.f32 $0xffff, v42  }
0xdf: {  	(xrf2) =	vadd.scan.msk.f32 $0xffff, v43;
	_ =	sdelay $0x5  }
0xe0: {  	v8 =	vperm.xlane v8, v0  }
0xe1: {  	v6 =	vperm.xlane v6, v0;
	v19, _, _ =	vpop (xrf2)  }
0xe2: {  	v7 =	vperm.xlane v7, v0;
	v8 =	vadd.f32 v19, v8;
	v19, _, _ =	vpop (xrf2)  }
0xe3: {  	v5 =	vperm.xlane v5, v0;
	v6 =	vadd.f32 v19, v6;
	v19, _, _ =	vpop (xrf2)  }
0xe4: {  	[tilespmem:s26+$0xA020] =	vst v8;
	v7 =	vadd.f32 v19, v7;
	v19, _, _ =	vpop (xrf2)  }
0xe5: {  	[tilespmem:s26+$0xA0A0] =	vst v6;
	v5 =	vadd.f32 v19, v5  }
0xe6: {  	[tilespmem:s26+$0xA120] =	vst v7  }
0xe7: {  	s0 =	sor.u32 $0x2200, s31;
	[tilespmem:s26+$0xA1A0] =	vst v5  }
0xe8: {  	v19 =	vld [tilespmem:s0+$0x0];
	_ =	sdelay $0x4  }
0xe9: {  	(xrf2) =	vadd.scan.msk.f32 $0xffff, v19;
	_ =	sdelay $0x8  }
0xea: {  	v4 =	vperm.xlane v4, v0  }
0xeb: {  	v19, _, _ =	vpop (xrf2)  }
0xec: {  	v4 =	vadd.f32 v19, v4;
	_ =	sdelay $0x1  }
0xed: {  	[tilespmem:s0+$0x8000] =	vst v4;
	s0 =	sor.u32 $0x2280, s31  }
0xee: {  	v19 =	vld [tilespmem:s0+$0x0];
	_ =	sdelay $0x4  }
0xef: {  	(xrf2) =	vadd.scan.msk.f32 $0xffff, v19;
	_ =	sdelay $0x8  }
0xf0: {  	v18 =	vperm.xlane v18, v0  }
0xf1: {  	v19, _, _ =	vpop (xrf2)  }
0xf2: {  	v18 =	vadd.f32 v19, v18;
	_ =	sdelay $0x1  }
0xf3: {  	[tilespmem:s0+$0x8000] =	vst v18;
	s0 =	sor.u32 $0x2300, s31  }
0xf4: {  	v19 =	vld [tilespmem:s0+$0x0];
	_ =	sdelay $0x4  }
0xf5: {  	(xrf2) =	vadd.scan.msk.f32 $0xffff, v19;
	_ =	sdelay $0x8  }
0xf6: {  	v17 =	vperm.xlane v17, v0  }
0xf7: {  	v19, _, _ =	vpop (xrf2)  }
0xf8: {  	v17 =	vadd.f32 v19, v17;
	_ =	sdelay $0x1  }
0xf9: {  	s31 =	sor.u32 $0x2380, s31;
	[tilespmem:s0+$0x8000] =	vst v17  }
0xfa: {  	v19 =	vld [tilespmem:s31+$0x0]  }
0xfb: {  	v44 =	vld [tilespmem:s26+$0x30]  }
0xfc: {  	v45 =	vld [tilespmem:s26+$0xB0]  }
0xfd: {  	v46 =	vld [tilespmem:s26+$0x130]  }
0xfe: {  	v23 =	vld [tilespmem:s26+$0x1B0]  }
0xff: {  	(xrf2) =	vadd.scan.msk.f32 $0xffff, v19  }
0x100: {  	(xrf2) =	vadd.scan.msk.f32 $0xffff, v44  }
0x101: {  	(xrf2) =	vadd.scan.msk.f32 $0xffff, v45  }
0x102: {  	(xrf2) =	vadd.scan.msk.f32 $0xffff, v46  }
0x103: {  	(xrf2) =	vadd.scan.msk.f32 $0xffff, v23;
	_ =	sdelay $0x5  }
0x104: {  	v16 =	vperm.xlane v16, v0;
	v19, _, _ =	vpop (xrf2)  }
0x105: {  	v15 =	vperm.xlane v15, v0;
	v20, _, _ =	vpop (xrf2)  }
0x106: {  	v14 =	vperm.xlane v14, v0;
	v16 =	vadd.f32 v20, v16;
	v47, _, _ =	vpop (xrf2)  }
0x107: {  	v13 =	vperm.xlane v13, v0;
	v15 =	vadd.f32 v47, v15;
	v48, _, _ =	vpop (xrf2)  }
0x108: {  	[tilespmem:s26+$0x8030] =	vst v16;
	v14 =	vadd.f32 v48, v14;
	v49, _, _ =	vpop (xrf2)  }
0x109: {  	[tilespmem:s26+$0x80B0] =	vst v15;
	v13 =	vadd.f32 v49, v13  }
0x10a: {  	s29 =	sadd.s32 $0x30, s29;
	[tilespmem:s26+$0x8130] =	vst v14  }
0x10b: {  	s0 =	sor.u32 $0x200, s29;
	[tilespmem:s26+$0x81B0] =	vst v13  }
0x10c: {  	v50 =	vld [tilespmem:s0+$0x0];
	_ =	sdelay $0x4  }
0x10d: {  	(xrf2) =	vadd.scan.msk.f32 $0xffff, v50;
	_ =	sdelay $0x8  }
0x10e: {  	v12 =	vperm.xlane v12, v0  }
0x10f: {  	v20, _, _ =	vpop (xrf2)  }
0x110: {  	v12 =	vadd.f32 v20, v12;
	_ =	sdelay $0x1  }
0x111: {  	[tilespmem:s0+$0x8000] =	vst v12;
	s0 =	sor.u32 $0x280, s29  }
0x112: {  	v51 =	vld [tilespmem:s0+$0x0];
	_ =	sdelay $0x4  }
0x113: {  	(xrf2) =	vadd.scan.msk.f32 $0xffff, v51;
	_ =	sdelay $0x8  }
0x114: {  	v11 =	vperm.xlane v11, v0  }
0x115: {  	v20, _, _ =	vpop (xrf2)  }
0x116: {  	v11 =	vadd.f32 v20, v11;
	_ =	sdelay $0x1  }
0x117: {  	[tilespmem:s0+$0x8000] =	vst v11;
	s0 =	sor.u32 $0x300, s29  }
0x118: {  	v52 =	vld [tilespmem:s0+$0x0];
	_ =	sdelay $0x4  }
0x119: {  	(xrf2) =	vadd.scan.msk.f32 $0xffff, v52;
	_ =	sdelay $0x8  }
0x11a: {  	v10 =	vperm.xlane v10, v0  }
0x11b: {  	v20, _, _ =	vpop (xrf2)  }
0x11c: {  	v10 =	vadd.f32 v20, v10;
	_ =	sdelay $0x1  }
0x11d: {  	[tilespmem:s0+$0x8000] =	vst v10;
	s0 =	sor.u32 $0x380, s29  }
0x11e: {  	v53 =	vld [tilespmem:s0+$0x0];
	_ =	sdelay $0x4  }
0x11f: {  	(xrf2) =	vadd.scan.msk.f32 $0xffff, v53;
	_ =	sdelay $0x8  }
0x120: {  	v9 =	vperm.xlane v9, v0  }
0x121: {  	v20, _, _ =	vpop (xrf2)  }
0x122: {  	v9 =	vadd.f32 v20, v9;
	_ =	sdelay $0x1  }
0x123: {  	[tilespmem:s0+$0x8000] =	vst v9  }
0x124: {  	v54 =	vld [tilespmem:s26+$0x2030]  }
0x125: {  	v55 =	vld [tilespmem:s26+$0x20B0]  }
0x126: {  	v56 =	vld [tilespmem:s26+$0x2130]  }
0x127: {  	v57 =	vld [tilespmem:s26+$0x21B0];
	_ =	sdelay $0x1  }
0x128: {  	(xrf2) =	vadd.scan.msk.f32 $0xffff, v54  }
0x129: {  	(xrf2) =	vadd.scan.msk.f32 $0xffff, v55  }
0x12a: {  	(xrf2) =	vadd.scan.msk.f32 $0xffff, v56  }
0x12b: {  	(xrf2) =	vadd.scan.msk.f32 $0xffff, v57;
	_ =	sdelay $0x5  }
0x12c: {  	v8 =	vperm.xlane v8, v0  }
0x12d: {  	v6 =	vperm.xlane v6, v0;
	v20, _, _ =	vpop (xrf2)  }
0x12e: {  	v7 =	vperm.xlane v7, v0;
	v21, _, _ =	vpop (xrf2);
	v8 =	vadd.f32 v20, v8  }
0x12f: {  	v5 =	vperm.xlane v5, v0;
	v58, _, _ =	vpop (xrf2);
	v6 =	vadd.f32 v21, v6  }
0x130: {  	[tilespmem:s26+$0xA030] =	vst v8;
	v7 =	vadd.f32 v58, v7;
	v59, _, _ =	vpop (xrf2)  }
0x131: {  	[tilespmem:s26+$0xA0B0] =	vst v6;
	v5 =	vadd.f32 v59, v5  }
0x132: {  	[tilespmem:s26+$0xA130] =	vst v7  }
0x133: {  	[tilespmem:s26+$0xA1B0] =	vst v5;
	s26 =	sor.u32 $0x2200, s29  }
0x134: {  	v60 =	vld [tilespmem:s26+$0x0];
	_ =	sdelay $0x4  }
0x135: {  	(xrf2) =	vadd.scan.msk.f32 $0xffff, v60;
	_ =	sdelay $0x8  }
0x136: {  	v4 =	vperm.xlane v4, v0  }
0x137: {  	v20, _, _ =	vpop (xrf2)  }
0x138: {  	v4 =	vadd.f32 v20, v4;
	_ =	sdelay $0x1  }
0x139: {  	[tilespmem:s26+$0x8000] =	vst v4;
	s26 =	sor.u32 $0x2280, s29  }
0x13a: {  	v61 =	vld [tilespmem:s26+$0x0];
	_ =	sdelay $0x4  }
0x13b: {  	(xrf2) =	vadd.scan.msk.f32 $0xffff, v61;
	_ =	sdelay $0x8  }
0x13c: {  	v18 =	vperm.xlane v18, v0  }
0x13d: {  	v20, _, _ =	vpop (xrf2)  }
0x13e: {  	v18 =	vadd.f32 v20, v18;
	_ =	sdelay $0x1  }
0x13f: {  	[tilespmem:s26+$0x8000] =	vst v18;
	s26 =	sor.u32 $0x2300, s29  }
0x140: {  	v62 =	vld [tilespmem:s26+$0x0];
	_ =	sdelay $0x4  }
0x141: {  	(xrf2) =	vadd.scan.msk.f32 $0xffff, v62;
	_ =	sdelay $0x8  }
0x142: {  	v17 =	vperm.xlane v17, v0  }
0x143: {  	v20, _, _ =	vpop (xrf2)  }
0x144: {  	v17 =	vadd.f32 v20, v17;
	_ =	sdelay $0x1  }
0x145: {  	s29 =	sor.u32 $0x2380, s29;
	[tilespmem:s26+$0x8000] =	vst v17  }
0x146: {  	v1 =	vadd.f32 v2, v1;
	v2 =	vld [tilespmem:s29+$0x0];
	_ =	sdelay $0x4  }
0x147: {  	(xrf2) =	vadd.scan.msk.f32 $0xffff, v2  }
0x148: {  	v63 =	vperm.xlane v1, v0;
	_ =	sdelay $0x1  }
0x149: {  	v3 =	vadd.f32 v3, v63;
	_ =	sdelay $0x1  }
0x14a: {  	v16 =	vperm.xlane v16, v0;
	v2 =	vperm.xlane v3, v0  }
0x14b: {  	v15 =	vperm.xlane v15, v0;
	v14 =	vperm.xlane v14, v0  }
0x14c: {  	s23 =	sadd.s32 $0x4, s23;
	v13 =	vperm.xlane v13, v0;
	v12 =	vperm.xlane v12, v0;
	v2 =	vadd.f32 v19, v2  }
0x14d: {  	p2 =	slt.u32 s23, $0x3C;
	v11 =	vperm.xlane v11, v0;
	v10 =	vperm.xlane v10, v0  }
.Ltmp0:
0x14e: {  	v9 =	vperm.xlane v9, v0;
	v19 =	vperm.xlane v2, v0;
	(pc) =	sbr.rel @p2 .LBB2_3-.Ltmp0, $4  }
0x14f: {  	[tilespmem:s28+$0x8000] =	vst v1;
	v8 =	vperm.xlane v8, v0;
	v6 =	vperm.xlane v6, v0;
	v1, _, _ =	vpop (xrf2)  }
0x150: {  	[tilespmem:s30+$0x8000] =	vst v3;
	v7 =	vperm.xlane v7, v0;
	v5 =	vperm.xlane v5, v0;
	v1 =	vadd.f32 v1, v19  }
0x151: {  	v4 =	vperm.xlane v4, v0;
	v3 =	vperm.xlane v18, v0;
	[tilespmem:s31+$0x8000] =	vst v2  }
0x152: {  	p1 =	por !p1, !p1;
	s25 =	sadd.s32 $0x200, s25;
	s24 =	sadd.s32 $0x40, s24;
	v2 =	vperm.xlane v17, v0;
	[tilespmem:s29+$0x8000] =	vst v1;
	v1 =	vperm.xlane v1, v0  }
0x153: {  	p1 =	sne.s32 s18, $0x1F  }
.Ltmp1:
0x154: {  	_ = 	snop;
	(pc) =	sbr.rel @p1 .LBB2_6-.Ltmp1, $4  }
0x155: {  	s0 =	sshll.u32 s21, $0xA  }
0x156: {  	s21 =	sshll.u32 s22, $0xD;
	s0 =	sadd.s32 s3, s0  }
0x157: {  	s0 =	sadd.s32 s21, s0  }
0x158: {  	[hbm4b:s0+s9] =	stream.strided.scatter [tilespmem:s10], [sflag:$0x3], $0x4000, s10, s9, $0x38;
	[tilespmem:$0x10000] =	vst v63  }
.Ltmp2:
0x159: {  	(pc) =	sbr.rel .LBB2_7-.Ltmp2, $4  }
0x15a: {  	_ = 	snop  }
0x15b: {  	_ =	swait.ge [sflag:s13], $0x4000  }
0x15c: {  	[sflag:s13] =	ssyncset.done $0x0  }
0x15d: {  	[sflag:s13] =	ssyncadd.s32 $0xFFFFC000  }
.LBB2_6:
0x15e: {  	s0 =	sadd.s32 $0x2, s20  }
0x15f: {  	s20 =	sshrl.u32 s0, $0x2;
	s0 =	sshll.u32 s0, $0xA  }
0x160: {  	s20 =	sadd.s32 s7, s20;
	s0 =	sand.u32 $0x800, s0  }
0x161: {  	s20 =	sshll.u32 s20, $0xD;
	s0 =	sadd.s32 s2, s0  }
.Ltmp3:
0x162: {  	s0 =	sadd.s32 s20, s0;
	(pc) =	sbr.rel @p0 .LBB2_8-.Ltmp3, $4  }
0x163: {  	[tilespmem:s4], [sflag:$0x1] =	stream.strided.gather [hbm4b:s0+s9], $0x4000, s10, s9, $0x38;
	[tilespmem:$0x10000] =	vst v63  }
0x164: {  	_ =	swait.ge [sflag:s13], $0x4000  }
0x165: {  	[sflag:s13] =	ssyncset.done $0x0  }
0x166: {  	[sflag:s13] =	ssyncadd.s32 $0xFFFFC000  }
.LBB2_7:
0x167: {  	_ =	swait.ge [sflag:s14], $0x4000  }
0x168: {  	[sflag:s14] =	ssyncset.done $0x0  }
0x169: {  	[sflag:s14] =	ssyncadd.s32 $0xFFFFC000  }
.LBB2_8:
0x16a: {  	s20 =	simm.s32 $0xFFFFFFFC  }
0x16b: {  	p0 =	por $0x0, $0x0;
	s22 =	simm.s32 $0x0;
	s23 =	simm.s32 $0x0  }
.LBB2_9:
0x16c: {  	s0 =	sand.u32 $0x40, s22;
	s24 =	sand.u32 $0x1C00, s23  }
0x16d: {  	s24 =	sor.u32 s0, s24  }
0x16e: {  	v17 =	vld [tilespmem:s24+$0x4000]  }
0x16f: {  	v18 =	vld [tilespmem:s24+$0x4080]  }
0x170: {  	v19 =	vld [tilespmem:s24+$0x4100]  }
0x171: {  	v20 =	vld [tilespmem:s24+$0x4180];
	_ =	sdelay $0x1  }
0x172: {  	(xrf2) =	vadd.scan.msk.f32 $0xffff, v17  }
0x173: {  	(xrf2) =	vadd.scan.msk.f32 $0xffff, v18  }
0x174: {  	(xrf2) =	vadd.scan.msk.f32 $0xffff, v19  }
0x175: {  	(xrf2) =	vadd.scan.msk.f32 $0xffff, v20;
	_ =	sdelay $0x6  }
0x176: {  	v17, _, _ =	vpop (xrf2)  }
0x177: {  	v16 =	vadd.f32 v17, v16;
	v17, _, _ =	vpop (xrf2)  }
0x178: {  	s0 =	simm.s32 $0x1;
	v15 =	vadd.f32 v17, v15;
	v17, _, _ =	vpop (xrf2)  }
0x179: {  	s0 =	simm.s32 @!p0 $0x0;
	[tilespmem:s24+$0xC000] =	vst v16;
	v14 =	vadd.f32 v17, v14;
	v17, _, _ =	vpop (xrf2)  }
0x17a: {  	s0 =	sshll.u32 s0, $0x6;
	[tilespmem:s24+$0xC080] =	vst v15;
	v13 =	vadd.f32 v17, v13  }
0x17b: {  	s26 =	sadd.s32 s0, s23;
	[tilespmem:s24+$0xC100] =	vst v14  }
0x17c: {  	s0 =	sor.u32 $0x200, s26;
	[tilespmem:s24+$0xC180] =	vst v13  }
0x17d: {  	v17 =	vld [tilespmem:s0+$0x4000];
	_ =	sdelay $0x4  }
0x17e: {  	(xrf2) =	vadd.scan.msk.f32 $0xffff, v17;
	_ =	sdelay $0x9  }
0x17f: {  	v17, _, _ =	vpop (xrf2)  }
0x180: {  	v12 =	vadd.f32 v17, v12;
	_ =	sdelay $0x1  }
0x181: {  	s25 =	sor.u32 $0x280, s26;
	[tilespmem:s0+$0xC000] =	vst v12  }
0x182: {  	v17 =	vld [tilespmem:s25+$0x4000];
	_ =	sdelay $0x4  }
0x183: {  	(xrf2) =	vadd.scan.msk.f32 $0xffff, v17;
	_ =	sdelay $0x9  }
0x184: {  	v17, _, _ =	vpop (xrf2)  }
0x185: {  	v11 =	vadd.f32 v17, v11;
	_ =	sdelay $0x1  }
0x186: {  	s28 =	sor.u32 $0x300, s26;
	[tilespmem:s25+$0xC000] =	vst v11  }
0x187: {  	v17 =	vld [tilespmem:s28+$0x4000];
	_ =	sdelay $0x4  }
0x188: {  	(xrf2) =	vadd.scan.msk.f32 $0xffff, v17;
	_ =	sdelay $0x9  }
0x189: {  	v17, _, _ =	vpop (xrf2)  }
0x18a: {  	v10 =	vadd.f32 v17, v10  }
0x18b: {  	s25 =	sor.u32 s22, s23  }
0x18c: {  	s29 =	sor.u32 $0x380, s25;
	[tilespmem:s28+$0xC000] =	vst v10  }
0x18d: {  	v17 =	vld [tilespmem:s29+$0x4000];
	_ =	sdelay $0x4  }
0x18e: {  	(xrf2) =	vadd.scan.msk.f32 $0xffff, v17;
	_ =	sdelay $0x9  }
0x18f: {  	v17, _, _ =	vpop (xrf2)  }
0x190: {  	v9 =	vadd.f32 v17, v9;
	_ =	sdelay $0x1  }
0x191: {  	[tilespmem:s29+$0xC000] =	vst v9  }
0x192: {  	v17 =	vld [tilespmem:s24+$0x6000]  }
0x193: {  	v18 =	vld [tilespmem:s24+$0x6080]  }
0x194: {  	v19 =	vld [tilespmem:s24+$0x6100]  }
0x195: {  	v35 =	vld [tilespmem:s24+$0x6180];
	_ =	sdelay $0x1  }
0x196: {  	(xrf2) =	vadd.scan.msk.f32 $0xffff, v17  }
0x197: {  	(xrf2) =	vadd.scan.msk.f32 $0xffff, v18  }
0x198: {  	(xrf2) =	vadd.scan.msk.f32 $0xffff, v19  }
0x199: {  	(xrf2) =	vadd.scan.msk.f32 $0xffff, v35;
	_ =	sdelay $0x6  }
0x19a: {  	v17, _, _ =	vpop (xrf2)  }
0x19b: {  	v8 =	vadd.f32 v17, v8;
	v17, _, _ =	vpop (xrf2)  }
0x19c: {  	v6 =	vadd.f32 v17, v6;
	v17, _, _ =	vpop (xrf2)  }
0x19d: {  	[tilespmem:s24+$0xE000] =	vst v8;
	v7 =	vadd.f32 v17, v7;
	v17, _, _ =	vpop (xrf2)  }
0x19e: {  	[tilespmem:s24+$0xE080] =	vst v6;
	v5 =	vadd.f32 v17, v5  }
0x19f: {  	[tilespmem:s24+$0xE100] =	vst v7  }
0x1a0: {  	s30 =	sor.u32 $0x2200, s26;
	[tilespmem:s24+$0xE180] =	vst v5  }
0x1a1: {  	v17 =	vld [tilespmem:s30+$0x4000];
	_ =	sdelay $0x4  }
0x1a2: {  	(xrf2) =	vadd.scan.msk.f32 $0xffff, v17;
	_ =	sdelay $0x9  }
0x1a3: {  	v17, _, _ =	vpop (xrf2)  }
0x1a4: {  	v4 =	vadd.f32 v17, v4;
	_ =	sdelay $0x1  }
0x1a5: {  	s31 =	sor.u32 $0x2280, s26;
	[tilespmem:s30+$0xC000] =	vst v4  }
0x1a6: {  	v17 =	vld [tilespmem:s31+$0x4000];
	_ =	sdelay $0x4  }
0x1a7: {  	(xrf2) =	vadd.scan.msk.f32 $0xffff, v17;
	_ =	sdelay $0x9  }
0x1a8: {  	v17, _, _ =	vpop (xrf2)  }
0x1a9: {  	v3 =	vadd.f32 v17, v3;
	_ =	sdelay $0x1  }
0x1aa: {  	s28 =	sor.u32 $0x2300, s26;
	[tilespmem:s31+$0xC000] =	vst v3  }
0x1ab: {  	v17 =	vld [tilespmem:s28+$0x4000];
	_ =	sdelay $0x4  }
0x1ac: {  	(xrf2) =	vadd.scan.msk.f32 $0xffff, v17;
	_ =	sdelay $0x9  }
0x1ad: {  	v17, _, _ =	vpop (xrf2)  }
0x1ae: {  	v17 =	vadd.f32 v17, v2;
	_ =	sdelay $0x1  }
0x1af: {  	s25 =	sor.u32 $0x2380, s25;
	[tilespmem:s28+$0xC000] =	vst v17  }
0x1b0: {  	v2 =	vld [tilespmem:s25+$0x4000]  }
0x1b1: {  	v18 =	vld [tilespmem:s24+$0x4010]  }
0x1b2: {  	v19 =	vld [tilespmem:s24+$0x4090]  }
0x1b3: {  	v36 =	vld [tilespmem:s24+$0x4110]  }
0x1b4: {  	v21 =	vld [tilespmem:s24+$0x4190]  }
0x1b5: {  	(xrf2) =	vadd.scan.msk.f32 $0xffff, v2  }
0x1b6: {  	(xrf2) =	vadd.scan.msk.f32 $0xffff, v18  }
0x1b7: {  	(xrf2) =	vadd.scan.msk.f32 $0xffff, v19  }
0x1b8: {  	(xrf2) =	vadd.scan.msk.f32 $0xffff, v36  }
0x1b9: {  	(xrf2) =	vadd.scan.msk.f32 $0xffff, v21;
	_ =	sdelay $0x5  }
0x1ba: {  	v16 =	vperm.xlane v16, v0;
	v2, _, _ =	vpop (xrf2)  }
0x1bb: {  	v15 =	vperm.xlane v15, v0;
	v18, _, _ =	vpop (xrf2)  }
0x1bc: {  	v14 =	vperm.xlane v14, v0;
	v16 =	vadd.f32 v18, v16;
	v18, _, _ =	vpop (xrf2)  }
0x1bd: {  	v13 =	vperm.xlane v13, v0;
	v15 =	vadd.f32 v18, v15;
	v18, _, _ =	vpop (xrf2)  }
0x1be: {  	[tilespmem:s24+$0xC010] =	vst v16;
	v14 =	vadd.f32 v18, v14;
	v18, _, _ =	vpop (xrf2)  }
0x1bf: {  	[tilespmem:s24+$0xC090] =	vst v15;
	v13 =	vadd.f32 v18, v13  }
0x1c0: {  	s28 =	sadd.s32 $0x10, s26;
	[tilespmem:s24+$0xC110] =	vst v14  }
0x1c1: {  	s29 =	sor.u32 $0x200, s28;
	[tilespmem:s24+$0xC190] =	vst v13  }
0x1c2: {  	v18 =	vld [tilespmem:s29+$0x4000];
	_ =	sdelay $0x4  }
0x1c3: {  	(xrf2) =	vadd.scan.msk.f32 $0xffff, v18;
	_ =	sdelay $0x8  }
0x1c4: {  	v12 =	vperm.xlane v12, v0  }
0x1c5: {  	v18, _, _ =	vpop (xrf2)  }
0x1c6: {  	v12 =	vadd.f32 v18, v12;
	_ =	sdelay $0x1  }
0x1c7: {  	s30 =	sor.u32 $0x280, s28;
	[tilespmem:s29+$0xC000] =	vst v12  }
0x1c8: {  	v18 =	vld [tilespmem:s30+$0x4000];
	_ =	sdelay $0x4  }
0x1c9: {  	(xrf2) =	vadd.scan.msk.f32 $0xffff, v18;
	_ =	sdelay $0x8  }
0x1ca: {  	v11 =	vperm.xlane v11, v0  }
0x1cb: {  	v18, _, _ =	vpop (xrf2)  }
0x1cc: {  	v11 =	vadd.f32 v18, v11;
	_ =	sdelay $0x1  }
0x1cd: {  	s31 =	sor.u32 $0x300, s28;
	[tilespmem:s30+$0xC000] =	vst v11  }
0x1ce: {  	v18 =	vld [tilespmem:s31+$0x4000];
	_ =	sdelay $0x4  }
0x1cf: {  	(xrf2) =	vadd.scan.msk.f32 $0xffff, v18;
	_ =	sdelay $0x8  }
0x1d0: {  	v10 =	vperm.xlane v10, v0  }
0x1d1: {  	v18, _, _ =	vpop (xrf2)  }
0x1d2: {  	v10 =	vadd.f32 v18, v10;
	_ =	sdelay $0x1  }
0x1d3: {  	s29 =	sor.u32 $0x380, s28;
	[tilespmem:s31+$0xC000] =	vst v10  }
0x1d4: {  	v18 =	vld [tilespmem:s29+$0x4000];
	_ =	sdelay $0x4  }
0x1d5: {  	(xrf2) =	vadd.scan.msk.f32 $0xffff, v18;
	_ =	sdelay $0x8  }
0x1d6: {  	v9 =	vperm.xlane v9, v0  }
0x1d7: {  	v18, _, _ =	vpop (xrf2)  }
0x1d8: {  	v9 =	vadd.f32 v18, v9;
	_ =	sdelay $0x1  }
0x1d9: {  	[tilespmem:s29+$0xC000] =	vst v9  }
0x1da: {  	v18 =	vld [tilespmem:s24+$0x6010]  }
0x1db: {  	v19 =	vld [tilespmem:s24+$0x6090]  }
0x1dc: {  	v37 =	vld [tilespmem:s24+$0x6110]  }
0x1dd: {  	v38 =	vld [tilespmem:s24+$0x6190];
	_ =	sdelay $0x1  }
0x1de: {  	(xrf2) =	vadd.scan.msk.f32 $0xffff, v18  }
0x1df: {  	(xrf2) =	vadd.scan.msk.f32 $0xffff, v19  }
0x1e0: {  	(xrf2) =	vadd.scan.msk.f32 $0xffff, v37  }
0x1e1: {  	(xrf2) =	vadd.scan.msk.f32 $0xffff, v38;
	_ =	sdelay $0x5  }
0x1e2: {  	v8 =	vperm.xlane v8, v0  }
0x1e3: {  	v6 =	vperm.xlane v6, v0;
	v18, _, _ =	vpop (xrf2)  }
0x1e4: {  	v7 =	vperm.xlane v7, v0;
	v8 =	vadd.f32 v18, v8;
	v18, _, _ =	vpop (xrf2)  }
0x1e5: {  	v5 =	vperm.xlane v5, v0;
	v6 =	vadd.f32 v18, v6;
	v18, _, _ =	vpop (xrf2)  }
0x1e6: {  	[tilespmem:s24+$0xE010] =	vst v8;
	v7 =	vadd.f32 v18, v7;
	v18, _, _ =	vpop (xrf2)  }
0x1e7: {  	[tilespmem:s24+$0xE090] =	vst v6;
	v5 =	vadd.f32 v18, v5  }
0x1e8: {  	[tilespmem:s24+$0xE110] =	vst v7  }
0x1e9: {  	s30 =	sor.u32 $0x2200, s28;
	[tilespmem:s24+$0xE190] =	vst v5  }
0x1ea: {  	v18 =	vld [tilespmem:s30+$0x4000];
	_ =	sdelay $0x4  }
0x1eb: {  	(xrf2) =	vadd.scan.msk.f32 $0xffff, v18;
	_ =	sdelay $0x8  }
0x1ec: {  	v4 =	vperm.xlane v4, v0  }
0x1ed: {  	v18, _, _ =	vpop (xrf2)  }
0x1ee: {  	v4 =	vadd.f32 v18, v4;
	_ =	sdelay $0x1  }
0x1ef: {  	s31 =	sor.u32 $0x2280, s28;
	[tilespmem:s30+$0xC000] =	vst v4  }
0x1f0: {  	v18 =	vld [tilespmem:s31+$0x4000];
	_ =	sdelay $0x4  }
0x1f1: {  	(xrf2) =	vadd.scan.msk.f32 $0xffff, v18;
	_ =	sdelay $0x8  }
0x1f2: {  	v3 =	vperm.xlane v3, v0  }
0x1f3: {  	v18, _, _ =	vpop (xrf2)  }
0x1f4: {  	v18 =	vadd.f32 v18, v3;
	_ =	sdelay $0x1  }
0x1f5: {  	s29 =	sor.u32 $0x2300, s28;
	[tilespmem:s31+$0xC000] =	vst v18  }
0x1f6: {  	v3 =	vld [tilespmem:s29+$0x4000];
	_ =	sdelay $0x4  }
0x1f7: {  	(xrf2) =	vadd.scan.msk.f32 $0xffff, v3;
	_ =	sdelay $0x8  }
0x1f8: {  	v3 =	vperm.xlane v17, v0  }
0x1f9: {  	v17, _, _ =	vpop (xrf2)  }
0x1fa: {  	v17 =	vadd.f32 v17, v3;
	_ =	sdelay $0x1  }
0x1fb: {  	s28 =	sor.u32 $0x2380, s28;
	[tilespmem:s29+$0xC000] =	vst v17  }
0x1fc: {  	v3 =	vld [tilespmem:s28+$0x4000]  }
0x1fd: {  	v19 =	vld [tilespmem:s24+$0x4020]  }
0x1fe: {  	v39 =	vld [tilespmem:s24+$0x40A0]  }
0x1ff: {  	v40 =	vld [tilespmem:s24+$0x4120]  }
0x200: {  	v22 =	vld [tilespmem:s24+$0x41A0]  }
0x201: {  	(xrf2) =	vadd.scan.msk.f32 $0xffff, v3  }
0x202: {  	(xrf2) =	vadd.scan.msk.f32 $0xffff, v19  }
0x203: {  	(xrf2) =	vadd.scan.msk.f32 $0xffff, v39  }
0x204: {  	(xrf2) =	vadd.scan.msk.f32 $0xffff, v40  }
0x205: {  	(xrf2) =	vadd.scan.msk.f32 $0xffff, v22;
	_ =	sdelay $0x5  }
0x206: {  	v16 =	vperm.xlane v16, v0;
	v3, _, _ =	vpop (xrf2)  }
0x207: {  	v15 =	vperm.xlane v15, v0;
	v19, _, _ =	vpop (xrf2)  }
0x208: {  	v14 =	vperm.xlane v14, v0;
	v16 =	vadd.f32 v19, v16;
	v19, _, _ =	vpop (xrf2)  }
0x209: {  	v13 =	vperm.xlane v13, v0;
	v15 =	vadd.f32 v19, v15;
	v19, _, _ =	vpop (xrf2)  }
0x20a: {  	[tilespmem:s24+$0xC020] =	vst v16;
	v14 =	vadd.f32 v19, v14;
	v19, _, _ =	vpop (xrf2)  }
0x20b: {  	[tilespmem:s24+$0xC0A0] =	vst v15;
	v13 =	vadd.f32 v19, v13  }
0x20c: {  	s29 =	sadd.s32 $0x20, s26;
	[tilespmem:s24+$0xC120] =	vst v14  }
0x20d: {  	s30 =	sor.u32 $0x200, s29;
	[tilespmem:s24+$0xC1A0] =	vst v13  }
0x20e: {  	v19 =	vld [tilespmem:s30+$0x4000];
	_ =	sdelay $0x4  }
0x20f: {  	(xrf2) =	vadd.scan.msk.f32 $0xffff, v19;
	_ =	sdelay $0x8  }
0x210: {  	v12 =	vperm.xlane v12, v0  }
0x211: {  	v19, _, _ =	vpop (xrf2)  }
0x212: {  	v12 =	vadd.f32 v19, v12;
	_ =	sdelay $0x1  }
0x213: {  	s31 =	sor.u32 $0x280, s29;
	[tilespmem:s30+$0xC000] =	vst v12  }
0x214: {  	v19 =	vld [tilespmem:s31+$0x4000];
	_ =	sdelay $0x4  }
0x215: {  	(xrf2) =	vadd.scan.msk.f32 $0xffff, v19;
	_ =	sdelay $0x8  }
0x216: {  	v11 =	vperm.xlane v11, v0  }
0x217: {  	v19, _, _ =	vpop (xrf2)  }
0x218: {  	v11 =	vadd.f32 v19, v11;
	_ =	sdelay $0x1  }
0x219: {  	s30 =	sor.u32 $0x300, s29;
	[tilespmem:s31+$0xC000] =	vst v11  }
0x21a: {  	v19 =	vld [tilespmem:s30+$0x4000];
	_ =	sdelay $0x4  }
0x21b: {  	(xrf2) =	vadd.scan.msk.f32 $0xffff, v19;
	_ =	sdelay $0x8  }
0x21c: {  	v10 =	vperm.xlane v10, v0  }
0x21d: {  	v19, _, _ =	vpop (xrf2)  }
0x21e: {  	v10 =	vadd.f32 v19, v10;
	_ =	sdelay $0x1  }
0x21f: {  	s31 =	sor.u32 $0x380, s29;
	[tilespmem:s30+$0xC000] =	vst v10  }
0x220: {  	v19 =	vld [tilespmem:s31+$0x4000];
	_ =	sdelay $0x4  }
0x221: {  	(xrf2) =	vadd.scan.msk.f32 $0xffff, v19;
	_ =	sdelay $0x8  }
0x222: {  	v9 =	vperm.xlane v9, v0  }
0x223: {  	v19, _, _ =	vpop (xrf2)  }
0x224: {  	v9 =	vadd.f32 v19, v9;
	_ =	sdelay $0x1  }
0x225: {  	[tilespmem:s31+$0xC000] =	vst v9  }
0x226: {  	v19 =	vld [tilespmem:s24+$0x6020]  }
0x227: {  	v41 =	vld [tilespmem:s24+$0x60A0]  }
0x228: {  	v42 =	vld [tilespmem:s24+$0x6120]  }
0x229: {  	v43 =	vld [tilespmem:s24+$0x61A0];
	_ =	sdelay $0x1  }
0x22a: {  	(xrf2) =	vadd.scan.msk.f32 $0xffff, v19  }
0x22b: {  	(xrf2) =	vadd.scan.msk.f32 $0xffff, v41  }
0x22c: {  	(xrf2) =	vadd.scan.msk.f32 $0xffff, v42  }
0x22d: {  	(xrf2) =	vadd.scan.msk.f32 $0xffff, v43;
	_ =	sdelay $0x5  }
0x22e: {  	v8 =	vperm.xlane v8, v0  }
0x22f: {  	v6 =	vperm.xlane v6, v0;
	v19, _, _ =	vpop (xrf2)  }
0x230: {  	v7 =	vperm.xlane v7, v0;
	v8 =	vadd.f32 v19, v8;
	v19, _, _ =	vpop (xrf2)  }
0x231: {  	v5 =	vperm.xlane v5, v0;
	v6 =	vadd.f32 v19, v6;
	v19, _, _ =	vpop (xrf2)  }
0x232: {  	[tilespmem:s24+$0xE020] =	vst v8;
	v7 =	vadd.f32 v19, v7;
	v19, _, _ =	vpop (xrf2)  }
0x233: {  	[tilespmem:s24+$0xE0A0] =	vst v6;
	v5 =	vadd.f32 v19, v5  }
0x234: {  	[tilespmem:s24+$0xE120] =	vst v7  }
0x235: {  	s30 =	sor.u32 $0x2200, s29;
	[tilespmem:s24+$0xE1A0] =	vst v5  }
0x236: {  	v19 =	vld [tilespmem:s30+$0x4000];
	_ =	sdelay $0x4  }
0x237: {  	(xrf2) =	vadd.scan.msk.f32 $0xffff, v19;
	_ =	sdelay $0x8  }
0x238: {  	v4 =	vperm.xlane v4, v0  }
0x239: {  	v19, _, _ =	vpop (xrf2)  }
0x23a: {  	v4 =	vadd.f32 v19, v4;
	_ =	sdelay $0x1  }
0x23b: {  	s31 =	sor.u32 $0x2280, s29;
	[tilespmem:s30+$0xC000] =	vst v4  }
0x23c: {  	v19 =	vld [tilespmem:s31+$0x4000];
	_ =	sdelay $0x4  }
0x23d: {  	(xrf2) =	vadd.scan.msk.f32 $0xffff, v19;
	_ =	sdelay $0x8  }
0x23e: {  	v18 =	vperm.xlane v18, v0  }
0x23f: {  	v19, _, _ =	vpop (xrf2)  }
0x240: {  	v18 =	vadd.f32 v19, v18;
	_ =	sdelay $0x1  }
0x241: {  	s30 =	sor.u32 $0x2300, s29;
	[tilespmem:s31+$0xC000] =	vst v18  }
0x242: {  	v19 =	vld [tilespmem:s30+$0x4000];
	_ =	sdelay $0x4  }
0x243: {  	(xrf2) =	vadd.scan.msk.f32 $0xffff, v19;
	_ =	sdelay $0x8  }
0x244: {  	v17 =	vperm.xlane v17, v0  }
0x245: {  	v19, _, _ =	vpop (xrf2)  }
0x246: {  	v17 =	vadd.f32 v19, v17;
	_ =	sdelay $0x1  }
0x247: {  	s29 =	sor.u32 $0x2380, s29;
	[tilespmem:s30+$0xC000] =	vst v17  }
0x248: {  	v19 =	vld [tilespmem:s29+$0x4000]  }
0x249: {  	v44 =	vld [tilespmem:s24+$0x4030]  }
0x24a: {  	v45 =	vld [tilespmem:s24+$0x40B0]  }
0x24b: {  	v46 =	vld [tilespmem:s24+$0x4130]  }
0x24c: {  	v23 =	vld [tilespmem:s24+$0x41B0]  }
0x24d: {  	(xrf2) =	vadd.scan.msk.f32 $0xffff, v19  }
0x24e: {  	(xrf2) =	vadd.scan.msk.f32 $0xffff, v44  }
0x24f: {  	(xrf2) =	vadd.scan.msk.f32 $0xffff, v45  }
0x250: {  	(xrf2) =	vadd.scan.msk.f32 $0xffff, v46  }
0x251: {  	(xrf2) =	vadd.scan.msk.f32 $0xffff, v23;
	_ =	sdelay $0x5  }
0x252: {  	v16 =	vperm.xlane v16, v0;
	v19, _, _ =	vpop (xrf2)  }
0x253: {  	v15 =	vperm.xlane v15, v0;
	v20, _, _ =	vpop (xrf2)  }
0x254: {  	v14 =	vperm.xlane v14, v0;
	v16 =	vadd.f32 v20, v16;
	v47, _, _ =	vpop (xrf2)  }
0x255: {  	v13 =	vperm.xlane v13, v0;
	v15 =	vadd.f32 v47, v15;
	v48, _, _ =	vpop (xrf2)  }
0x256: {  	[tilespmem:s24+$0xC030] =	vst v16;
	v14 =	vadd.f32 v48, v14;
	v49, _, _ =	vpop (xrf2)  }
0x257: {  	[tilespmem:s24+$0xC0B0] =	vst v15;
	v13 =	vadd.f32 v49, v13  }
0x258: {  	s26 =	sadd.s32 $0x30, s26;
	[tilespmem:s24+$0xC130] =	vst v14  }
0x259: {  	s31 =	sor.u32 $0x200, s26;
	[tilespmem:s24+$0xC1B0] =	vst v13  }
0x25a: {  	v50 =	vld [tilespmem:s31+$0x4000];
	_ =	sdelay $0x4  }
0x25b: {  	(xrf2) =	vadd.scan.msk.f32 $0xffff, v50;
	_ =	sdelay $0x8  }
0x25c: {  	v12 =	vperm.xlane v12, v0  }
0x25d: {  	v20, _, _ =	vpop (xrf2)  }
0x25e: {  	v12 =	vadd.f32 v20, v12;
	_ =	sdelay $0x1  }
0x25f: {  	s30 =	sor.u32 $0x280, s26;
	[tilespmem:s31+$0xC000] =	vst v12  }
0x260: {  	v51 =	vld [tilespmem:s30+$0x4000];
	_ =	sdelay $0x4  }
0x261: {  	(xrf2) =	vadd.scan.msk.f32 $0xffff, v51;
	_ =	sdelay $0x8  }
0x262: {  	v11 =	vperm.xlane v11, v0  }
0x263: {  	v20, _, _ =	vpop (xrf2)  }
0x264: {  	v11 =	vadd.f32 v20, v11;
	_ =	sdelay $0x1  }
0x265: {  	s31 =	sor.u32 $0x300, s26;
	[tilespmem:s30+$0xC000] =	vst v11  }
0x266: {  	v52 =	vld [tilespmem:s31+$0x4000];
	_ =	sdelay $0x4  }
0x267: {  	(xrf2) =	vadd.scan.msk.f32 $0xffff, v52;
	_ =	sdelay $0x8  }
0x268: {  	v10 =	vperm.xlane v10, v0  }
0x269: {  	v20, _, _ =	vpop (xrf2)  }
0x26a: {  	v10 =	vadd.f32 v20, v10;
	_ =	sdelay $0x1  }
0x26b: {  	s30 =	sor.u32 $0x380, s26;
	[tilespmem:s31+$0xC000] =	vst v10  }
0x26c: {  	v53 =	vld [tilespmem:s30+$0x4000];
	_ =	sdelay $0x4  }
0x26d: {  	(xrf2) =	vadd.scan.msk.f32 $0xffff, v53;
	_ =	sdelay $0x8  }
0x26e: {  	v9 =	vperm.xlane v9, v0  }
0x26f: {  	v20, _, _ =	vpop (xrf2)  }
0x270: {  	v9 =	vadd.f32 v20, v9;
	_ =	sdelay $0x1  }
0x271: {  	[tilespmem:s30+$0xC000] =	vst v9  }
0x272: {  	v54 =	vld [tilespmem:s24+$0x6030]  }
0x273: {  	v55 =	vld [tilespmem:s24+$0x60B0]  }
0x274: {  	v56 =	vld [tilespmem:s24+$0x6130]  }
0x275: {  	v57 =	vld [tilespmem:s24+$0x61B0];
	_ =	sdelay $0x1  }
0x276: {  	(xrf2) =	vadd.scan.msk.f32 $0xffff, v54  }
0x277: {  	(xrf2) =	vadd.scan.msk.f32 $0xffff, v55  }
0x278: {  	(xrf2) =	vadd.scan.msk.f32 $0xffff, v56  }
0x279: {  	(xrf2) =	vadd.scan.msk.f32 $0xffff, v57;
	_ =	sdelay $0x5  }
0x27a: {  	v8 =	vperm.xlane v8, v0  }
0x27b: {  	v6 =	vperm.xlane v6, v0;
	v20, _, _ =	vpop (xrf2)  }
0x27c: {  	v7 =	vperm.xlane v7, v0;
	v21, _, _ =	vpop (xrf2);
	v8 =	vadd.f32 v20, v8  }
0x27d: {  	v5 =	vperm.xlane v5, v0;
	v58, _, _ =	vpop (xrf2);
	v6 =	vadd.f32 v21, v6  }
0x27e: {  	[tilespmem:s24+$0xE030] =	vst v8;
	v7 =	vadd.f32 v58, v7;
	v59, _, _ =	vpop (xrf2)  }
0x27f: {  	[tilespmem:s24+$0xE0B0] =	vst v6;
	v5 =	vadd.f32 v59, v5  }
0x280: {  	[tilespmem:s24+$0xE130] =	vst v7  }
0x281: {  	s31 =	sor.u32 $0x2200, s26;
	[tilespmem:s24+$0xE1B0] =	vst v5  }
0x282: {  	v60 =	vld [tilespmem:s31+$0x4000];
	_ =	sdelay $0x4  }
0x283: {  	(xrf2) =	vadd.scan.msk.f32 $0xffff, v60;
	_ =	sdelay $0x8  }
0x284: {  	v4 =	vperm.xlane v4, v0  }
0x285: {  	v20, _, _ =	vpop (xrf2)  }
0x286: {  	v4 =	vadd.f32 v20, v4;
	_ =	sdelay $0x1  }
0x287: {  	s24 =	sor.u32 $0x2280, s26;
	[tilespmem:s31+$0xC000] =	vst v4  }
0x288: {  	v61 =	vld [tilespmem:s24+$0x4000];
	_ =	sdelay $0x4  }
0x289: {  	(xrf2) =	vadd.scan.msk.f32 $0xffff, v61;
	_ =	sdelay $0x8  }
0x28a: {  	v18 =	vperm.xlane v18, v0  }
0x28b: {  	v20, _, _ =	vpop (xrf2)  }
0x28c: {  	v18 =	vadd.f32 v20, v18;
	_ =	sdelay $0x1  }
0x28d: {  	s30 =	sor.u32 $0x2300, s26;
	[tilespmem:s24+$0xC000] =	vst v18  }
0x28e: {  	v62 =	vld [tilespmem:s30+$0x4000];
	_ =	sdelay $0x4  }
0x28f: {  	(xrf2) =	vadd.scan.msk.f32 $0xffff, v62;
	_ =	sdelay $0x8  }
0x290: {  	v17 =	vperm.xlane v17, v0  }
0x291: {  	v20, _, _ =	vpop (xrf2)  }
0x292: {  	v17 =	vadd.f32 v20, v17;
	_ =	sdelay $0x1  }
0x293: {  	s31 =	sor.u32 $0x2380, s26;
	[tilespmem:s30+$0xC000] =	vst v17  }
0x294: {  	v1 =	vadd.f32 v2, v1;
	v2 =	vld [tilespmem:s31+$0x4000];
	_ =	sdelay $0x4  }
0x295: {  	(xrf2) =	vadd.scan.msk.f32 $0xffff, v2  }
0x296: {  	v63 =	vperm.xlane v1, v0;
	_ =	sdelay $0x1  }
0x297: {  	v3 =	vadd.f32 v3, v63;
	_ =	sdelay $0x1  }
0x298: {  	v16 =	vperm.xlane v16, v0;
	v2 =	vperm.xlane v3, v0  }
0x299: {  	v15 =	vperm.xlane v15, v0;
	v14 =	vperm.xlane v14, v0  }
0x29a: {  	s20 =	sadd.s32 $0x4, s20;
	v13 =	vperm.xlane v13, v0;
	v12 =	vperm.xlane v12, v0;
	v2 =	vadd.f32 v19, v2  }
0x29b: {  	p1 =	slt.u32 s20, $0x3C;
	v11 =	vperm.xlane v11, v0;
	v10 =	vperm.xlane v10, v0  }
.Ltmp4:
0x29c: {  	v9 =	vperm.xlane v9, v0;
	v19 =	vperm.xlane v2, v0;
	(pc) =	sbr.rel @p1 .LBB2_9-.Ltmp4, $4  }
0x29d: {  	[tilespmem:s25+$0xC000] =	vst v1;
	v8 =	vperm.xlane v8, v0;
	v6 =	vperm.xlane v6, v0;
	v1, _, _ =	vpop (xrf2)  }
0x29e: {  	[tilespmem:s28+$0xC000] =	vst v3;
	v7 =	vperm.xlane v7, v0;
	v5 =	vperm.xlane v5, v0;
	v1 =	vadd.f32 v1, v19  }
0x29f: {  	v4 =	vperm.xlane v4, v0;
	v3 =	vperm.xlane v18, v0;
	[tilespmem:s29+$0xC000] =	vst v2  }
0x2a0: {  	p0 =	por !p0, !p0;
	s23 =	sadd.s32 $0x200, s23;
	s22 =	sadd.s32 $0x40, s22;
	v2 =	vperm.xlane v17, v0;
	[tilespmem:s31+$0xC000] =	vst v1;
	v1 =	vperm.xlane v1, v0  }
0x2a1: {  	s18 =	sadd.s32 $0x1, s18  }
0x2a2: {  	p0 =	sne.s32 s18, $0x20  }
.Ltmp5:
0x2a3: {  	_ = 	snop;
	(pc) =	sbr.rel @p0 .LBB2_2-.Ltmp5, $4  }
0x2a4: {  	_ = 	snop  }
0x2a5: {  	s0 =	sadd.s32 s3, s19  }
0x2a6: {  	s0 =	sadd.s32 s21, s0  }
0x2a7: {  	[hbm4b:s0+s9] =	stream.strided.scatter [tilespmem:s15], [sflag:$0x4], $0x4000, s10, s9, $0x38;
	[tilespmem:$0x10000] =	vst v63  }
0x2a8: {  	s17 =	sadd.s32 $0x1, s17  }
0x2a9: {  	_ =	swait.ge [sflag:s16], $0x4000;
	p0 =	sne.s32 s17, s8  }
.Ltmp6:
0x2aa: {  	[sflag:s16] =	ssyncset.done $0x0;
	(pc) =	sbr.rel @p0 .LBB2_1-.Ltmp6, $4  }
0x2ab: {  	[sflag:s16] =	ssyncadd.s32 $0xFFFFC000  }
0x2ac: {  	_ =	swait.ge [sflag:s14], $0x4000  }
0x2ad: {  	[sflag:s14] =	ssyncset.done $0x0  }
0x2ae: {  	[sflag:s14] =	ssyncadd.s32 $0xFFFFC000  }
0x2af: {  	_ =	sfence.sel $0x180000  }
0x2b0: {  	[bflag:$0x0] =	sbarrier.arrive $0xFFFF  }
0x2b1: {  	_ =	strace $0x90000047  }
0x2b2: {  	[bflag:$0x2] =	sbarrier.arrive $0xFFFF  }
0x2b3: {  	p0 =	sne.s32 s1, $0x0;
	s0 =	rddreg [dreg:$0x2]  }
0x2b4: {  	s0 =	sadd.s32 @!p0 $0x100000, s0  }
0x2b5: {  	[sflag:s0] =	ssyncadd.tile.s32 @!p0 $0x1;
	_ =	shalt  }
.Lfunc_end2:
_tile_overlayer_lowered:
.L_overlay_start_2:
0x2b6: {  	(tag) =	ssettag $0x2  }
0x2b7: {  	s0 =	rddreg [dreg:$0x0];
	s2 =	stileid.u32  }
0x2b8: {  	s1 =	rddreg [dreg:$0x1];
	p0 =	sne.s32 s2, $0x0  }
0x2b9: {  	s3 =	rddreg [dreg:$0x2];
	[bflag:$0x3] =	sbarrier.arrive $0xFFFF;
	s2 =	simm.s32 @!p0 $0x1C05  }
0x2ba: {  	[timem:s3], [sflag:s2] =	dma.local @!p0 [hbm:s0], s1  }
0x2bb: {  	s0 =	simm.s32 @!p0 $0x5  }
0x2bc: {  	_ =	swait.ge @!p0 [sflag:s0], s1  }
0x2bd: {  	s1 =	ssub.s32 @!p0 $0x0, s1;
	[sflag:s0] =	ssyncset.done @!p0 $0x0  }
0x2be: {  	[sflag:s0] =	ssyncadd.s32 @!p0 s1  }
0x2bf: {  	[bflag:$0x3] =	sbarrier.arrive $0xFFFF  }
0x2c0: {  	_ =	shalt  }

</sc_bundles>
